<compile_context>
chip_gen: v7x
topology: tpu7x:2x2x1
jax: 0.10.2.dev20260603
libtpu: 0.0.44.dev20260713+nightly
codegen_flags: <defaults>
</compile_context>

<pallas_src>
import functools

import jax
import jax.numpy as jnp
from jax import lax
from jax.experimental import pallas as pl
from jax.experimental.pallas import tpu as pltpu
from jax.experimental.pallas import tpu_sc as plsc

N = 10000
D = 128
E = 320000
NCORE = 2
NSUB = 16
NW = NCORE * NSUB
EPW = E // NW
CH = 128
NFULL = EPW // CH
REM = EPW - NFULL * CH
NPAD = 10240
RPS = NPAD // NSUB
ZR = 40

def _deg_kernel_body(dst_hbm, out_hbm, idx_v, deg_v):
    c = lax.axis_index("c")
    s = lax.axis_index("s")
    wid = s * NCORE + c
    base = wid * EPW
    zeros16 = jnp.zeros((16,), jnp.float32)
    ones16 = jnp.ones((16,), jnp.float32)

    pltpu.sync_copy(dst_hbm.at[pl.ds(base, EPW)], idx_v)

    def zero_body(i, carry):
        deg_v[pl.ds(i * 16, 16)] = zeros16
        return carry

    lax.fori_loop(0, NPAD // 16, zero_body, 0)

    def inner(j, carry):
        idx = idx_v[pl.ds(j * 16, 16)]
        plsc.addupdate_scatter(deg_v, [idx], ones16)
        return carry

    lax.fori_loop(0, EPW // 16, inner, 0)

    pltpu.sync_copy(deg_v, out_hbm.at[wid])


def _agg_kernel_body(g_hbm, src_hbm, dst_hbm, z_hbm, out_hbm,
                     srca_v, dsta_v, rowsa_v, srcb_v, dstb_v, rowsb_v,
                     src_r, dst_r, rows_r,
                     acc_sh, sema, semb, semr):
    c = lax.axis_index("c")
    s = lax.axis_index("s")
    wid = s * NCORE + c
    base = wid * EPW

    pltpu.sync_copy(src_hbm.at[pl.ds(base, CH)], srca_v)
    pltpu.async_copy(g_hbm.at[srca_v], rowsa_v, sema)
    pltpu.sync_copy(dst_hbm.at[pl.ds(base, CH)], dsta_v)

    pltpu.sync_copy(z_hbm.at[pl.ds(s * RPS, RPS)],
                    acc_sh.at[pl.ds(s * RPS, RPS)])
    plsc.subcore_barrier()

    def pair_body(k, carry):
        i1 = 2 * k + 1
        pltpu.sync_copy(src_hbm.at[pl.ds(base + i1 * CH, CH)], srcb_v)
        pltpu.async_copy(g_hbm.at[srcb_v], rowsb_v, semb)
        pltpu.sync_copy(dst_hbm.at[pl.ds(base + i1 * CH, CH)], dstb_v)

        pltpu.make_async_copy(g_hbm.at[srca_v], rowsa_v, sema).wait()
        pltpu.sync_copy(rowsa_v, acc_sh.at[dsta_v], add=True)

        @pl.when(k < NFULL // 2 - 1)
        def _():
            i2 = 2 * k + 2
            pltpu.sync_copy(src_hbm.at[pl.ds(base + i2 * CH, CH)], srca_v)
            pltpu.async_copy(g_hbm.at[srca_v], rowsa_v, sema)
            pltpu.sync_copy(dst_hbm.at[pl.ds(base + i2 * CH, CH)], dsta_v)

        pltpu.make_async_copy(g_hbm.at[srcb_v], rowsb_v, semb).wait()
        pltpu.sync_copy(rowsb_v, acc_sh.at[dstb_v], add=True)
        return carry

    lax.fori_loop(0, NFULL // 2, pair_body, 0)

    pltpu.sync_copy(src_hbm.at[pl.ds(base + NFULL * CH, REM)], src_r)
    pltpu.sync_copy(dst_hbm.at[pl.ds(base + NFULL * CH, REM)], dst_r)
    pltpu.async_copy(g_hbm.at[src_r], rows_r, semr).wait()
    pltpu.sync_copy(rows_r, acc_sh.at[dst_r], add=True)

    plsc.subcore_barrier()
    pltpu.sync_copy(acc_sh.at[pl.ds(s * RPS, RPS)],
                    out_hbm.at[c, pl.ds(s * RPS, RPS)])


def _tc1_body(x_ref, w1_ref, parts_ref, dis_ref, g_ref):
    deg = jnp.sum(parts_ref[...], axis=0)[:N] + 1.0
    dis = lax.rsqrt(deg)[:, None]
    h = jnp.dot(x_ref[...], w1_ref[...], preferred_element_type=jnp.float32)
    dis_ref[...] = dis
    g_ref[...] = h * dis


def _tc2_body(p_ref, g_ref, dis_ref, b1_ref, w2_ref, g2_ref):
    agg = p_ref[0, :N] + p_ref[1, :N] + g_ref[...]
    t = jnp.maximum(agg * dis_ref[...] + b1_ref[...], 0.0)
    h2 = jnp.dot(t, w2_ref[...], preferred_element_type=jnp.float32)
    g2_ref[...] = h2 * dis_ref[...]


def _tc3_body(p_ref, g_ref, dis_ref, b2_ref, wlin_ref, blin_ref, out_ref):
    o = (p_ref[0, :N] + p_ref[1, :N] + g_ref[...]) * dis_ref[...] + b2_ref[...]
    logits = jnp.dot(o, wlin_ref[...], preferred_element_type=jnp.float32)
    logits = logits + blin_ref[...]
    m = jnp.max(logits, axis=1, keepdims=True)
    lse = jnp.log(jnp.sum(jnp.exp(logits - m), axis=1, keepdims=True))
    out_ref[...] = logits - m - lse


_tc1 = pl.pallas_call(
    _tc1_body,
    out_shape=(jax.ShapeDtypeStruct((N, 1), jnp.float32),
               jax.ShapeDtypeStruct((N, D), jnp.float32)),
)
_tc2 = pl.pallas_call(
    _tc2_body,
    out_shape=jax.ShapeDtypeStruct((N, D), jnp.float32),
)
_tc3 = pl.pallas_call(
    _tc3_body,
    out_shape=jax.ShapeDtypeStruct((N, 5), jnp.float32),
)


@functools.cache
def _build_sc_kernels():
    mesh = plsc.VectorSubcoreMesh(core_axis_name="c", subcore_axis_name="s",
                                  num_cores=NCORE, num_subcores=NSUB)
    params = pltpu.CompilerParams(needs_layout_passes=False)
    deg_kernel = pl.kernel(
        _deg_kernel_body,
        out_type=jax.ShapeDtypeStruct((NW, NPAD), jnp.float32),
        mesh=mesh,
        compiler_params=params,
        scratch_types=[
            pltpu.VMEM((EPW,), jnp.int32),
            pltpu.VMEM((NPAD,), jnp.float32),
        ],
    )
    agg_kernel = pl.kernel(
        _agg_kernel_body,
        out_type=jax.ShapeDtypeStruct((NCORE, NPAD, D), jnp.float32),
        mesh=mesh,
        compiler_params=params,
        scratch_types=[
            pltpu.VMEM((CH,), jnp.int32),
            pltpu.VMEM((CH,), jnp.int32),
            pltpu.VMEM((CH, D), jnp.float32),
            pltpu.VMEM((CH,), jnp.int32),
            pltpu.VMEM((CH,), jnp.int32),
            pltpu.VMEM((CH, D), jnp.float32),
            pltpu.VMEM((REM,), jnp.int32),
            pltpu.VMEM((REM,), jnp.int32),
            pltpu.VMEM((REM, D), jnp.float32),
            pltpu.VMEM_SHARED((NPAD, D), jnp.float32),
            pltpu.SemaphoreType.DMA,
            pltpu.SemaphoreType.DMA,
            pltpu.SemaphoreType.DMA,
        ],
    )
    return deg_kernel, agg_kernel


def kernel(x, edge_index, W1, b1, W2, b2, Wlin, blin):
    _deg_kernel, _agg_kernel = _build_sc_kernels()
    src = edge_index[0].astype(jnp.int32)
    dst = edge_index[1].astype(jnp.int32)
    zeros = jnp.zeros((NPAD, D), jnp.float32)
    deg_parts = _deg_kernel(dst)
    dis, g1 = _tc1(x, W1, deg_parts)
    p1 = _agg_kernel(g1, src, dst, zeros)
    g2 = _tc2(p1, g1, dis, b1, W2)
    p2 = _agg_kernel(g2, src, dst, zeros)
    return _tc3(p2, g2, dis, b2, Wlin, blin)

# --- scband reference (transcript-rebuilt; emitter-appended) ---
"""Pipeline reference for scband-gcn-5566277616138 (READ-ONLY COPY).

The authoritative reference and input builder live on the scoring server;
editing this copy changes nothing except your own understanding.
"""

import jax, jax.numpy as jnp
import numpy as np

N_NODES = 10000


def gcn_conv(x, edge_index, W, b, n_nodes):
    # GCNConv: out = D^{-1/2} (A + I) D^{-1/2} (x @ W) + b
    src = edge_index[0]
    dst = edge_index[1]
    loop = jnp.arange(n_nodes, dtype=edge_index.dtype)
    src = jnp.concatenate([src, loop], axis=0)
    dst = jnp.concatenate([dst, loop], axis=0)
    deg = jax.ops.segment_sum(jnp.ones_like(dst, dtype=jnp.float32), dst, num_segments=n_nodes)
    deg_inv_sqrt = jnp.where(deg > 0, 1.0 / jnp.sqrt(deg), 0.0)
    norm = deg_inv_sqrt[src] * deg_inv_sqrt[dst]
    h = x @ W
    msgs = h[src] * norm[:, None]
    out = jax.ops.segment_sum(msgs, dst, num_segments=n_nodes)
    return out + b


def setup_inputs(seed: int = 0) -> dict:
    key = jax.random.key(seed)
    k1, k2, k3, k4, k5 = jax.random.split(key, 5)
    x = jax.random.normal(k1, (N_NODES, 128), dtype=jnp.float32)
    edge_index = jax.random.randint(k2, (2, 320000), 0, N_NODES, dtype=jnp.int64)
    W1 = jax.random.normal(k3, (128, 128), dtype=jnp.float32) * (1.0 / np.sqrt(128))
    b1 = jnp.zeros((128,), dtype=jnp.float32)
    W2 = jax.random.normal(k4, (128, 128), dtype=jnp.float32) * (1.0 / np.sqrt(128))
    b2 = jnp.zeros((128,), dtype=jnp.float32)
    Wlin = jax.random.normal(k5, (128, 5), dtype=jnp.float32) * (1.0 / np.sqrt(128))
    blin = jnp.zeros((5,), dtype=jnp.float32)
    return {"x": x, "edge_index": edge_index, "W1": W1, "b1": b1, "W2": W2, "b2": b2, "Wlin": Wlin, "blin": blin}


def reference(x, edge_index, W1, b1, W2, b2, Wlin, blin):
    n_nodes = x.shape[0]
    h = gcn_conv(x, edge_index, W1, b1, n_nodes)
    h = jax.nn.relu(h)
    # dropout is identity in eval mode
    h = gcn_conv(h, edge_index, W2, b2, n_nodes)
    h = h @ Wlin + blin
    return jax.nn.log_softmax(h, axis=1)

if __name__ == "__main__":
    import jax
    _d = setup_inputs()
    print(jax.jit(kernel)(*tuple(_d.values())))

</pallas_src>

<mosaic_0001>
#map = affine_map<(d0, d1) -> (0)>
#map1 = affine_map<(d0, d1) -> (0, 0)>
module attributes {stable_mosaic.version = 14 : i64} {
  func.func @_deg_kernel_body(%arg0: i32, %arg1: i32, %arg2: memref<320000xi32, #tpu.memory_space<hbm>>, %arg3: memref<32x10240xf32, #tpu.memory_space<hbm>>, %arg4: memref<10000xi32, #tpu.memory_space<vmem>>, %arg5: memref<10240xf32, #tpu.memory_space<vmem>>) attributes {dimension_semantics = [#tpu.dimension_semantics<core_parallel>, #tpu.dimension_semantics<subcore_parallel>], iteration_bounds = array<i64: 2, 16>, scalar_prefetch = 0 : i64, scratch_operands = 2 : i64, tpu.core_type = #tpu.core_type<sc_vector_subcore>, window_params = [{transform_indices = #map}, {transform_indices = #map1}]} {
    %mul3A = arith.constant 2 : i32
    %mul3A_0 = arith.muli %arg1, %mul3A : i32
    %add3A = arith.addi %mul3A_0, %arg0 : i32
    %mul3A_1 = arith.constant 10000 : i32
    %mul3A_2 = arith.muli %add3A, %mul3A_1 : i32
    %broadcast_in_dim3A = arith.constant 0.000000e+00 : f32
    %broadcast_in_dim3A_3 = vector.broadcast %broadcast_in_dim3A : f32 to vector<16xf32>
    %broadcast_in_dim3A_4 = arith.constant 1.000000e+00 : f32
    %broadcast_in_dim3A_5 = vector.broadcast %broadcast_in_dim3A_4 : f32 to vector<16xf32>
    "tpu.region"() ({
      %run_scoped3A = tpu.sem_alloc : memref<!tpu.dma_semaphore, #tpu.memory_space<semaphore_mem>>
      %dma_start3A = tpu.memref_slice %arg2[%mul3A_2] : memref<320000xi32, #tpu.memory_space<hbm>> -> memref<10000xi32, #tpu.memory_space<hbm>>
      %dma_start3A_17 = tpu.memref_slice %arg2[%mul3A_2] : memref<320000xi32, #tpu.memory_space<hbm>> -> memref<10000xi32, #tpu.memory_space<hbm>>
      tpu.enqueue_dma source(%dma_start3A_17 : memref<10000xi32, #tpu.memory_space<hbm>>) target(%arg4 : memref<10000xi32, #tpu.memory_space<vmem>>) target_semaphore(%run_scoped3A : memref<!tpu.dma_semaphore, #tpu.memory_space<semaphore_mem>>)
      %dma_wait3A = tpu.memref_slice %arg2[%mul3A_2] : memref<320000xi32, #tpu.memory_space<hbm>> -> memref<10000xi32, #tpu.memory_space<hbm>>
      %dma_wait3A_18 = tpu.memref_slice %arg2[%mul3A_2] : memref<320000xi32, #tpu.memory_space<hbm>> -> memref<10000xi32, #tpu.memory_space<hbm>>
      tpu.wait_dma2 semaphore(%run_scoped3A : memref<!tpu.dma_semaphore, #tpu.memory_space<semaphore_mem>>) src(%dma_wait3A_18 : memref<10000xi32, #tpu.memory_space<hbm>>) dst(%arg4 : memref<10000xi32, #tpu.memory_space<vmem>>)
      tpu.yield
    }) : () -> ()
    %scan3A = arith.constant 0 : i32
    %scan3A_6 = arith.constant 0 : i32
    %scan3A_7 = arith.constant 640 : i32
    %scan3A_8 = arith.addi %scan3A_6, %scan3A_7 : i32
    %scan3A_9 = arith.constant 1 : i32
    scf.for %scan3A_17 = %scan3A_6 to %scan3A_8 step %scan3A_9  : i32 {
      %mul3A_18 = arith.constant 16 : i32
      %mul3A_19 = arith.muli %scan3A_17, %mul3A_18 : i32
      %swap3A = arith.index_cast %mul3A_19 : i32 to index
      %swap3A_20 = tpu.vector_load %arg5[%swap3A] {strides = array<i32>} : memref<10240xf32, #tpu.memory_space<vmem>>, vector<16xf32>,
      tpu.vector_store %arg5[%swap3A], %broadcast_in_dim3A_3 {strides = array<i32>} : memref<10240xf32, #tpu.memory_space<vmem>>, vector<16xf32>,
    }
    %scan3A_10 = arith.constant 640 : i32
    %scan3A_11 = arith.constant 0 : i32
    %scan3A_12 = arith.constant 0 : i32
    %scan3A_13 = arith.constant 625 : i32
    %scan3A_14 = arith.addi %scan3A_12, %scan3A_13 : i32
    %scan3A_15 = arith.constant 1 : i32
    scf.for %scan3A_17 = %scan3A_12 to %scan3A_14 step %scan3A_15  : i32 {
      %mul3A_18 = arith.constant 16 : i32
      %mul3A_19 = arith.muli %scan3A_17, %mul3A_18 : i32
      %get3A = arith.index_cast %mul3A_19 : i32 to index
      %get3A_20 = tpu.vector_load %arg4[%get3A] {strides = array<i32>} : memref<10000xi32, #tpu.memory_space<vmem>>, vector<16xi32>,
      tpu.vector_store_idx %arg5[%get3A_20], %broadcast_in_dim3A_5 {add = true} : memref<10240xf32, #tpu.memory_space<vmem>>[vector<16xi32>], vector<16xf32>,
    }
    %scan3A_16 = arith.constant 625 : i32
    "tpu.region"() ({
      %run_scoped3A = tpu.sem_alloc : memref<!tpu.dma_semaphore, #tpu.memory_space<semaphore_mem>>
      %dma_start3A = arith.constant 0 : i32
      %dma_start3A_17 = tpu.memref_slice %arg3[%add3A, %dma_start3A] : memref<32x10240xf32, #tpu.memory_space<hbm>> -> memref<1x10240xf32, #tpu.memory_space<hbm>>
      %dma_start3A_18 = tpu.memref_squeeze %dma_start3A_17 : memref<1x10240xf32, #tpu.memory_space<hbm>> -> memref<10240xf32, #tpu.memory_space<hbm>>
      %dma_start3A_19 = arith.constant 0 : i32
      %dma_start3A_20 = tpu.memref_slice %arg3[%add3A, %dma_start3A_19] : memref<32x10240xf32, #tpu.memory_space<hbm>> -> memref<1x10240xf32, #tpu.memory_space<hbm>>
      %dma_start3A_21 = tpu.memref_squeeze %dma_start3A_20 : memref<1x10240xf32, #tpu.memory_space<hbm>> -> memref<10240xf32, #tpu.memory_space<hbm>>
      tpu.enqueue_dma source(%arg5 : memref<10240xf32, #tpu.memory_space<vmem>>) target(%dma_start3A_21 : memref<10240xf32, #tpu.memory_space<hbm>>) target_semaphore(%run_scoped3A : memref<!tpu.dma_semaphore, #tpu.memory_space<semaphore_mem>>)
      %dma_wait3A = arith.constant 0 : i32
      %dma_wait3A_22 = tpu.memref_slice %arg3[%add3A, %dma_wait3A] : memref<32x10240xf32, #tpu.memory_space<hbm>> -> memref<1x10240xf32, #tpu.memory_space<hbm>>
      %dma_wait3A_23 = tpu.memref_squeeze %dma_wait3A_22 : memref<1x10240xf32, #tpu.memory_space<hbm>> -> memref<10240xf32, #tpu.memory_space<hbm>>
      %dma_wait3A_24 = arith.constant 0 : i32
      %dma_wait3A_25 = tpu.memref_slice %arg3[%add3A, %dma_wait3A_24] : memref<32x10240xf32, #tpu.memory_space<hbm>> -> memref<1x10240xf32, #tpu.memory_space<hbm>>
      %dma_wait3A_26 = tpu.memref_squeeze %dma_wait3A_25 : memref<1x10240xf32, #tpu.memory_space<hbm>> -> memref<10240xf32, #tpu.memory_space<hbm>>
      tpu.wait_dma2 semaphore(%run_scoped3A : memref<!tpu.dma_semaphore, #tpu.memory_space<semaphore_mem>>) src(%arg5 : memref<10240xf32, #tpu.memory_space<vmem>>) dst(%dma_wait3A_26 : memref<10240xf32, #tpu.memory_space<hbm>>)
      tpu.yield
    }) : () -> ()
    return
  }
}

#map = affine_map<(d0, d1) -> (0, 0)>
#map1 = affine_map<(d0, d1) -> (0)>
#map2 = affine_map<(d0, d1) -> (0, 0, 0)>
module attributes {stable_mosaic.version = 14 : i64} {
  func.func @_agg_kernel_body(%arg0: i32, %arg1: i32, %arg2: memref<10000x128xf32, #tpu.memory_space<hbm>>, %arg3: memref<320000xi32, #tpu.memory_space<hbm>>, %arg4: memref<320000xi32, #tpu.memory_space<hbm>>, %arg5: memref<10240x128xf32, #tpu.memory_space<hbm>>, %arg6: memref<2x10240x128xf32, #tpu.memory_space<hbm>>, %arg7: memref<128xi32, #tpu.memory_space<vmem>>, %arg8: memref<128xi32, #tpu.memory_space<vmem>>, %arg9: memref<128x128xf32, #tpu.memory_space<vmem>>, %arg10: memref<128xi32, #tpu.memory_space<vmem>>, %arg11: memref<128xi32, #tpu.memory_space<vmem>>, %arg12: memref<128x128xf32, #tpu.memory_space<vmem>>, %arg13: memref<16xi32, #tpu.memory_space<vmem>>, %arg14: memref<16xi32, #tpu.memory_space<vmem>>, %arg15: memref<16x128xf32, #tpu.memory_space<vmem>>, %arg16: memref<10240x128xf32, #tpu.memory_space<vmem_shared>>, %arg17: memref<!tpu.dma_semaphore, #tpu.memory_space<semaphore_mem>>, %arg18: memref<!tpu.dma_semaphore, #tpu.memory_space<semaphore_mem>>, %arg19: memref<!tpu.dma_semaphore, #tpu.memory_space<semaphore_mem>>) attributes {dimension_semantics = [#tpu.dimension_semantics<core_parallel>, #tpu.dimension_semantics<subcore_parallel>], iteration_bounds = array<i64: 2, 16>, scalar_prefetch = 0 : i64, scratch_operands = 13 : i64, tpu.core_type = #tpu.core_type<sc_vector_subcore>, window_params = [{transform_indices = #map}, {transform_indices = #map1}, {transform_indices = #map1}, {transform_indices = #map}, {transform_indices = #map2}]} {
    %mul3A = arith.constant 2 : i32
    %mul3A_0 = arith.muli %arg1, %mul3A : i32
    %add3A = arith.addi %mul3A_0, %arg0 : i32
    %mul3A_1 = arith.constant 10000 : i32
    %mul3A_2 = arith.muli %add3A, %mul3A_1 : i32
    "tpu.region"() ({
      %run_scoped3A = tpu.sem_alloc : memref<!tpu.dma_semaphore, #tpu.memory_space<semaphore_mem>>
      %dma_start3A_28 = tpu.memref_slice %arg3[%mul3A_2] : memref<320000xi32, #tpu.memory_space<hbm>> -> memref<128xi32, #tpu.memory_space<hbm>>
      %dma_start3A_29 = tpu.memref_slice %arg3[%mul3A_2] : memref<320000xi32, #tpu.memory_space<hbm>> -> memref<128xi32, #tpu.memory_space<hbm>>
      tpu.enqueue_dma source(%dma_start3A_29 : memref<128xi32, #tpu.memory_space<hbm>>) target(%arg7 : memref<128xi32, #tpu.memory_space<vmem>>) target_semaphore(%run_scoped3A : memref<!tpu.dma_semaphore, #tpu.memory_space<semaphore_mem>>)
      %dma_wait3A_30 = tpu.memref_slice %arg3[%mul3A_2] : memref<320000xi32, #tpu.memory_space<hbm>> -> memref<128xi32, #tpu.memory_space<hbm>>
      %dma_wait3A_31 = tpu.memref_slice %arg3[%mul3A_2] : memref<320000xi32, #tpu.memory_space<hbm>> -> memref<128xi32, #tpu.memory_space<hbm>>
      tpu.wait_dma2 semaphore(%run_scoped3A : memref<!tpu.dma_semaphore, #tpu.memory_space<semaphore_mem>>) src(%dma_wait3A_31 : memref<128xi32, #tpu.memory_space<hbm>>) dst(%arg7 : memref<128xi32, #tpu.memory_space<vmem>>)
      tpu.yield
    }) : () -> ()
    %dma_start3A = arith.constant 0 : i32
    %dma_start3A_3 = arith.constant 0 : i32
    %dma_start3A_4 = tpu.memref_slice %arg2[%dma_start3A, %dma_start3A_3] : memref<10000x128xf32, #tpu.memory_space<hbm>> -> memref<10000x128xf32, #tpu.memory_space<hbm>>
    tpu.enqueue_indirect_dma source(%dma_start3A_4 : memref<10000x128xf32, #tpu.memory_space<hbm>>) target(%arg9 : memref<128x128xf32, #tpu.memory_space<vmem>>) offsets(%arg7 : memref<128xi32, #tpu.memory_space<vmem>>) semaphore(%arg17 : memref<!tpu.dma_semaphore, #tpu.memory_space<semaphore_mem>>)
    "tpu.region"() ({
      %run_scoped3A = tpu.sem_alloc : memref<!tpu.dma_semaphore, #tpu.memory_space<semaphore_mem>>
      %dma_start3A_28 = tpu.memref_slice %arg4[%mul3A_2] : memref<320000xi32, #tpu.memory_space<hbm>> -> memref<128xi32, #tpu.memory_space<hbm>>
      %dma_start3A_29 = tpu.memref_slice %arg4[%mul3A_2] : memref<320000xi32, #tpu.memory_space<hbm>> -> memref<128xi32, #tpu.memory_space<hbm>>
      tpu.enqueue_dma source(%dma_start3A_29 : memref<128xi32, #tpu.memory_space<hbm>>) target(%arg8 : memref<128xi32, #tpu.memory_space<vmem>>) target_semaphore(%run_scoped3A : memref<!tpu.dma_semaphore, #tpu.memory_space<semaphore_mem>>)
      %dma_wait3A_30 = tpu.memref_slice %arg4[%mul3A_2] : memref<320000xi32, #tpu.memory_space<hbm>> -> memref<128xi32, #tpu.memory_space<hbm>>
      %dma_wait3A_31 = tpu.memref_slice %arg4[%mul3A_2] : memref<320000xi32, #tpu.memory_space<hbm>> -> memref<128xi32, #tpu.memory_space<hbm>>
      tpu.wait_dma2 semaphore(%run_scoped3A : memref<!tpu.dma_semaphore, #tpu.memory_space<semaphore_mem>>) src(%dma_wait3A_31 : memref<128xi32, #tpu.memory_space<hbm>>) dst(%arg8 : memref<128xi32, #tpu.memory_space<vmem>>)
      tpu.yield
    }) : () -> ()
    %mul3A_5 = arith.constant 640 : i32
    %mul3A_6 = arith.muli %arg1, %mul3A_5 : i32
    %mul3A_7 = arith.constant 640 : i32
    %mul3A_8 = arith.muli %arg1, %mul3A_7 : i32
    "tpu.region"() ({
      %run_scoped3A = tpu.sem_alloc : memref<!tpu.dma_semaphore, #tpu.memory_space<semaphore_mem>>
      %dma_start3A_28 = arith.constant 0 : i32
      %dma_start3A_29 = tpu.memref_slice %arg16[%mul3A_8, %dma_start3A_28] : memref<10240x128xf32, #tpu.memory_space<vmem_shared>> -> memref<640x128xf32, #tpu.memory_space<vmem_shared>>
      %dma_start3A_30 = arith.constant 0 : i32
      %dma_start3A_31 = tpu.memref_slice %arg5[%mul3A_6, %dma_start3A_30] : memref<10240x128xf32, #tpu.memory_space<hbm>> -> memref<640x128xf32, #tpu.memory_space<hbm>>
      tpu.enqueue_dma source(%dma_start3A_31 : memref<640x128xf32, #tpu.memory_space<hbm>>) target(%dma_start3A_29 : memref<640x128xf32, #tpu.memory_space<vmem_shared>>) target_semaphore(%run_scoped3A : memref<!tpu.dma_semaphore, #tpu.memory_space<semaphore_mem>>)
      %dma_wait3A_32 = arith.constant 0 : i32
      %dma_wait3A_33 = tpu.memref_slice %arg16[%mul3A_8, %dma_wait3A_32] : memref<10240x128xf32, #tpu.memory_space<vmem_shared>> -> memref<640x128xf32, #tpu.memory_space<vmem_shared>>
      %dma_wait3A_34 = arith.constant 0 : i32
      %dma_wait3A_35 = tpu.memref_slice %arg5[%mul3A_6, %dma_wait3A_34] : memref<10240x128xf32, #tpu.memory_space<hbm>> -> memref<640x128xf32, #tpu.memory_space<hbm>>
      tpu.wait_dma2 semaphore(%run_scoped3A : memref<!tpu.dma_semaphore, #tpu.memory_space<semaphore_mem>>) src(%dma_wait3A_35 : memref<640x128xf32, #tpu.memory_space<hbm>>) dst(%dma_wait3A_33 : memref<640x128xf32, #tpu.memory_space<vmem_shared>>)
      tpu.yield
    }) : () -> ()
    %barrier3A = arith.constant 0 : index
    tpu.barrier barrier_id(%barrier3A)
    %scan3A = arith.constant 0 : i32
    %scan3A_9 = arith.constant 0 : i32
    %scan3A_10 = arith.constant 39 : i32
    %scan3A_11 = arith.addi %scan3A_9, %scan3A_10 : i32
    %scan3A_12 = arith.constant 1 : i32
    scf.for %scan3A_28 = %scan3A_9 to %scan3A_11 step %scan3A_12  : i32 {
      %mul3A_29 = arith.constant 2 : i32
      %mul3A_30 = arith.muli %mul3A_29, %scan3A_28 : i32
      %add3A_31 = arith.constant 1 : i32
      %add3A_32 = arith.addi %mul3A_30, %add3A_31 : i32
      %mul3A_33 = arith.constant 128 : i32
      %mul3A_34 = arith.muli %add3A_32, %mul3A_33 : i32
      %add3A_35 = arith.addi %mul3A_2, %mul3A_34 : i32
      "tpu.region"() ({
        %run_scoped3A = tpu.sem_alloc : memref<!tpu.dma_semaphore, #tpu.memory_space<semaphore_mem>>
        %dma_start3A_50 = tpu.memref_slice %arg3[%add3A_35] : memref<320000xi32, #tpu.memory_space<hbm>> -> memref<128xi32, #tpu.memory_space<hbm>>
        %dma_start3A_51 = tpu.memref_slice %arg3[%add3A_35] : memref<320000xi32, #tpu.memory_space<hbm>> -> memref<128xi32, #tpu.memory_space<hbm>>
        tpu.enqueue_dma source(%dma_start3A_51 : memref<128xi32, #tpu.memory_space<hbm>>) target(%arg10 : memref<128xi32, #tpu.memory_space<vmem>>) target_semaphore(%run_scoped3A : memref<!tpu.dma_semaphore, #tpu.memory_space<semaphore_mem>>)
        %dma_wait3A_52 = tpu.memref_slice %arg3[%add3A_35] : memref<320000xi32, #tpu.memory_space<hbm>> -> memref<128xi32, #tpu.memory_space<hbm>>
        %dma_wait3A_53 = tpu.memref_slice %arg3[%add3A_35] : memref<320000xi32, #tpu.memory_space<hbm>> -> memref<128xi32, #tpu.memory_space<hbm>>
        tpu.wait_dma2 semaphore(%run_scoped3A : memref<!tpu.dma_semaphore, #tpu.memory_space<semaphore_mem>>) src(%dma_wait3A_53 : memref<128xi32, #tpu.memory_space<hbm>>) dst(%arg10 : memref<128xi32, #tpu.memory_space<vmem>>)
        tpu.yield
      }) : () -> ()
      %dma_start3A_36 = arith.constant 0 : i32
      %dma_start3A_37 = arith.constant 0 : i32
      %dma_start3A_38 = tpu.memref_slice %arg2[%dma_start3A_36, %dma_start3A_37] : memref<10000x128xf32, #tpu.memory_space<hbm>> -> memref<10000x128xf32, #tpu.memory_space<hbm>>
      tpu.enqueue_indirect_dma source(%dma_start3A_38 : memref<10000x128xf32, #tpu.memory_space<hbm>>) target(%arg12 : memref<128x128xf32, #tpu.memory_space<vmem>>) offsets(%arg10 : memref<128xi32, #tpu.memory_space<vmem>>) semaphore(%arg18 : memref<!tpu.dma_semaphore, #tpu.memory_space<semaphore_mem>>)
      %mul3A_39 = arith.constant 128 : i32
      %mul3A_40 = arith.muli %add3A_32, %mul3A_39 : i32
      %add3A_41 = arith.addi %mul3A_2, %mul3A_40 : i32
      "tpu.region"() ({
        %run_scoped3A = tpu.sem_alloc : memref<!tpu.dma_semaphore, #tpu.memory_space<semaphore_mem>>
        %dma_start3A_50 = tpu.memref_slice %arg4[%add3A_41] : memref<320000xi32, #tpu.memory_space<hbm>> -> memref<128xi32, #tpu.memory_space<hbm>>
        %dma_start3A_51 = tpu.memref_slice %arg4[%add3A_41] : memref<320000xi32, #tpu.memory_space<hbm>> -> memref<128xi32, #tpu.memory_space<hbm>>
        tpu.enqueue_dma source(%dma_start3A_51 : memref<128xi32, #tpu.memory_space<hbm>>) target(%arg11 : memref<128xi32, #tpu.memory_space<vmem>>) target_semaphore(%run_scoped3A : memref<!tpu.dma_semaphore, #tpu.memory_space<semaphore_mem>>)
        %dma_wait3A_52 = tpu.memref_slice %arg4[%add3A_41] : memref<320000xi32, #tpu.memory_space<hbm>> -> memref<128xi32, #tpu.memory_space<hbm>>
        %dma_wait3A_53 = tpu.memref_slice %arg4[%add3A_41] : memref<320000xi32, #tpu.memory_space<hbm>> -> memref<128xi32, #tpu.memory_space<hbm>>
        tpu.wait_dma2 semaphore(%run_scoped3A : memref<!tpu.dma_semaphore, #tpu.memory_space<semaphore_mem>>) src(%dma_wait3A_53 : memref<128xi32, #tpu.memory_space<hbm>>) dst(%arg11 : memref<128xi32, #tpu.memory_space<vmem>>)
        tpu.yield
      }) : () -> ()
      %dma_wait3A_42 = arith.constant 0 : i32
      %dma_wait3A_43 = arith.constant 0 : i32
      %dma_wait3A_44 = tpu.memref_slice %arg2[%dma_wait3A_42, %dma_wait3A_43] : memref<10000x128xf32, #tpu.memory_space<hbm>> -> memref<10000x128xf32, #tpu.memory_space<hbm>>
      tpu.wait_indirect_dma semaphore(%arg17 : memref<!tpu.dma_semaphore, #tpu.memory_space<semaphore_mem>>) src(%dma_wait3A_44 : memref<10000x128xf32, #tpu.memory_space<hbm>>) dst(%arg9 : memref<128x128xf32, #tpu.memory_space<vmem>>)
      "tpu.region"() ({
        %run_scoped3A = tpu.sem_alloc : memref<!tpu.dma_semaphore, #tpu.memory_space<semaphore_mem>>
        %dma_start3A_50 = arith.constant 0 : i32
        %dma_start3A_51 = arith.constant 0 : i32
        %dma_start3A_52 = tpu.memref_slice %arg16[%dma_start3A_50, %dma_start3A_51] : memref<10240x128xf32, #tpu.memory_space<vmem_shared>> -> memref<10240x128xf32, #tpu.memory_space<vmem_shared>>
        tpu.enqueue_indirect_dma source(%arg9 : memref<128x128xf32, #tpu.memory_space<vmem>>) target(%dma_start3A_52 : memref<10240x128xf32, #tpu.memory_space<vmem_shared>>) offsets(%arg8 : memref<128xi32, #tpu.memory_space<vmem>>) semaphore(%run_scoped3A : memref<!tpu.dma_semaphore, #tpu.memory_space<semaphore_mem>>) {add = true}
        %dma_wait3A_53 = arith.constant 0 : i32
        %dma_wait3A_54 = arith.constant 0 : i32
        %dma_wait3A_55 = tpu.memref_slice %arg16[%dma_wait3A_53, %dma_wait3A_54] : memref<10240x128xf32, #tpu.memory_space<vmem_shared>> -> memref<10240x128xf32, #tpu.memory_space<vmem_shared>>
        tpu.wait_indirect_dma semaphore(%run_scoped3A : memref<!tpu.dma_semaphore, #tpu.memory_space<semaphore_mem>>) src(%arg9 : memref<128x128xf32, #tpu.memory_space<vmem>>) dst(%dma_wait3A_55 : memref<10240x128xf32, #tpu.memory_space<vmem_shared>>)
        tpu.yield
      }) : () -> ()
      %lt3A = arith.constant 38 : i32
      %lt3A_45 = arith.cmpi slt, %scan3A_28, %lt3A : i32
      %convert_element_type3A = arith.extui %lt3A_45 : i1 to i32
      %cond3A = arith.constant 0 : i32
      %cond3A_46 = arith.cmpi ne, %convert_element_type3A, %cond3A : i32
      scf.if %cond3A_46 {
        %mul3A_50 = arith.constant 2 : i32
        %mul3A_51 = arith.muli %mul3A_50, %scan3A_28 : i32
        %add3A_52 = arith.constant 2 : i32
        %add3A_53 = arith.addi %mul3A_51, %add3A_52 : i32
        %mul3A_54 = arith.constant 128 : i32
        %mul3A_55 = arith.muli %add3A_53, %mul3A_54 : i32
        %add3A_56 = arith.addi %mul3A_2, %mul3A_55 : i32
        "tpu.region"() ({
          %run_scoped3A = tpu.sem_alloc : memref<!tpu.dma_semaphore, #tpu.memory_space<semaphore_mem>>
          %dma_start3A_63 = tpu.memref_slice %arg3[%add3A_56] : memref<320000xi32, #tpu.memory_space<hbm>> -> memref<128xi32, #tpu.memory_space<hbm>>
          %dma_start3A_64 = tpu.memref_slice %arg3[%add3A_56] : memref<320000xi32, #tpu.memory_space<hbm>> -> memref<128xi32, #tpu.memory_space<hbm>>
          tpu.enqueue_dma source(%dma_start3A_64 : memref<128xi32, #tpu.memory_space<hbm>>) target(%arg7 : memref<128xi32, #tpu.memory_space<vmem>>) target_semaphore(%run_scoped3A : memref<!tpu.dma_semaphore, #tpu.memory_space<semaphore_mem>>)
          %dma_wait3A_65 = tpu.memref_slice %arg3[%add3A_56] : memref<320000xi32, #tpu.memory_space<hbm>> -> memref<128xi32, #tpu.memory_space<hbm>>
          %dma_wait3A_66 = tpu.memref_slice %arg3[%add3A_56] : memref<320000xi32, #tpu.memory_space<hbm>> -> memref<128xi32, #tpu.memory_space<hbm>>
          tpu.wait_dma2 semaphore(%run_scoped3A : memref<!tpu.dma_semaphore, #tpu.memory_space<semaphore_mem>>) src(%dma_wait3A_66 : memref<128xi32, #tpu.memory_space<hbm>>) dst(%arg7 : memref<128xi32, #tpu.memory_space<vmem>>)
          tpu.yield
        }) : () -> ()
        %dma_start3A_57 = arith.constant 0 : i32
        %dma_start3A_58 = arith.constant 0 : i32
        %dma_start3A_59 = tpu.memref_slice %arg2[%dma_start3A_57, %dma_start3A_58] : memref<10000x128xf32, #tpu.memory_space<hbm>> -> memref<10000x128xf32, #tpu.memory_space<hbm>>
        tpu.enqueue_indirect_dma source(%dma_start3A_59 : memref<10000x128xf32, #tpu.memory_space<hbm>>) target(%arg9 : memref<128x128xf32, #tpu.memory_space<vmem>>) offsets(%arg7 : memref<128xi32, #tpu.memory_space<vmem>>) semaphore(%arg17 : memref<!tpu.dma_semaphore, #tpu.memory_space<semaphore_mem>>)
        %mul3A_60 = arith.constant 128 : i32
        %mul3A_61 = arith.muli %add3A_53, %mul3A_60 : i32
        %add3A_62 = arith.addi %mul3A_2, %mul3A_61 : i32
        "tpu.region"() ({
          %run_scoped3A = tpu.sem_alloc : memref<!tpu.dma_semaphore, #tpu.memory_space<semaphore_mem>>
          %dma_start3A_63 = tpu.memref_slice %arg4[%add3A_62] : memref<320000xi32, #tpu.memory_space<hbm>> -> memref<128xi32, #tpu.memory_space<hbm>>
          %dma_start3A_64 = tpu.memref_slice %arg4[%add3A_62] : memref<320000xi32, #tpu.memory_space<hbm>> -> memref<128xi32, #tpu.memory_space<hbm>>
          tpu.enqueue_dma source(%dma_start3A_64 : memref<128xi32, #tpu.memory_space<hbm>>) target(%arg8 : memref<128xi32, #tpu.memory_space<vmem>>) target_semaphore(%run_scoped3A : memref<!tpu.dma_semaphore, #tpu.memory_space<semaphore_mem>>)
          %dma_wait3A_65 = tpu.memref_slice %arg4[%add3A_62] : memref<320000xi32, #tpu.memory_space<hbm>> -> memref<128xi32, #tpu.memory_space<hbm>>
          %dma_wait3A_66 = tpu.memref_slice %arg4[%add3A_62] : memref<320000xi32, #tpu.memory_space<hbm>> -> memref<128xi32, #tpu.memory_space<hbm>>
          tpu.wait_dma2 semaphore(%run_scoped3A : memref<!tpu.dma_semaphore, #tpu.memory_space<semaphore_mem>>) src(%dma_wait3A_66 : memref<128xi32, #tpu.memory_space<hbm>>) dst(%arg8 : memref<128xi32, #tpu.memory_space<vmem>>)
          tpu.yield
        }) : () -> ()
      } else {
      }
      %dma_wait3A_47 = arith.constant 0 : i32
      %dma_wait3A_48 = arith.constant 0 : i32
      %dma_wait3A_49 = tpu.memref_slice %arg2[%dma_wait3A_47, %dma_wait3A_48] : memref<10000x128xf32, #tpu.memory_space<hbm>> -> memref<10000x128xf32, #tpu.memory_space<hbm>>
      tpu.wait_indirect_dma semaphore(%arg18 : memref<!tpu.dma_semaphore, #tpu.memory_space<semaphore_mem>>) src(%dma_wait3A_49 : memref<10000x128xf32, #tpu.memory_space<hbm>>) dst(%arg12 : memref<128x128xf32, #tpu.memory_space<vmem>>)
      "tpu.region"() ({
        %run_scoped3A = tpu.sem_alloc : memref<!tpu.dma_semaphore, #tpu.memory_space<semaphore_mem>>
        %dma_start3A_50 = arith.constant 0 : i32
        %dma_start3A_51 = arith.constant 0 : i32
        %dma_start3A_52 = tpu.memref_slice %arg16[%dma_start3A_50, %dma_start3A_51] : memref<10240x128xf32, #tpu.memory_space<vmem_shared>> -> memref<10240x128xf32, #tpu.memory_space<vmem_shared>>
        tpu.enqueue_indirect_dma source(%arg12 : memref<128x128xf32, #tpu.memory_space<vmem>>) target(%dma_start3A_52 : memref<10240x128xf32, #tpu.memory_space<vmem_shared>>) offsets(%arg11 : memref<128xi32, #tpu.memory_space<vmem>>) semaphore(%run_scoped3A : memref<!tpu.dma_semaphore, #tpu.memory_space<semaphore_mem>>) {add = true}
        %dma_wait3A_53 = arith.constant 0 : i32
        %dma_wait3A_54 = arith.constant 0 : i32
        %dma_wait3A_55 = tpu.memref_slice %arg16[%dma_wait3A_53, %dma_wait3A_54] : memref<10240x128xf32, #tpu.memory_space<vmem_shared>> -> memref<10240x128xf32, #tpu.memory_space<vmem_shared>>
        tpu.wait_indirect_dma semaphore(%run_scoped3A : memref<!tpu.dma_semaphore, #tpu.memory_space<semaphore_mem>>) src(%arg12 : memref<128x128xf32, #tpu.memory_space<vmem>>) dst(%dma_wait3A_55 : memref<10240x128xf32, #tpu.memory_space<vmem_shared>>)
        tpu.yield
      }) : () -> ()
    }
    %scan3A_13 = arith.constant 39 : i32
    %add3A_14 = arith.constant 9984 : i32
    %add3A_15 = arith.addi %mul3A_2, %add3A_14 : i32
    "tpu.region"() ({
      %run_scoped3A = tpu.sem_alloc : memref<!tpu.dma_semaphore, #tpu.memory_space<semaphore_mem>>
      %dma_start3A_28 = tpu.memref_slice %arg3[%add3A_15] : memref<320000xi32, #tpu.memory_space<hbm>> -> memref<16xi32, #tpu.memory_space<hbm>>
      %dma_start3A_29 = tpu.memref_slice %arg3[%add3A_15] : memref<320000xi32, #tpu.memory_space<hbm>> -> memref<16xi32, #tpu.memory_space<hbm>>
      tpu.enqueue_dma source(%dma_start3A_29 : memref<16xi32, #tpu.memory_space<hbm>>) target(%arg13 : memref<16xi32, #tpu.memory_space<vmem>>) target_semaphore(%run_scoped3A : memref<!tpu.dma_semaphore, #tpu.memory_space<semaphore_mem>>)
      %dma_wait3A_30 = tpu.memref_slice %arg3[%add3A_15] : memref<320000xi32, #tpu.memory_space<hbm>> -> memref<16xi32, #tpu.memory_space<hbm>>
      %dma_wait3A_31 = tpu.memref_slice %arg3[%add3A_15] : memref<320000xi32, #tpu.memory_space<hbm>> -> memref<16xi32, #tpu.memory_space<hbm>>
      tpu.wait_dma2 semaphore(%run_scoped3A : memref<!tpu.dma_semaphore, #tpu.memory_space<semaphore_mem>>) src(%dma_wait3A_31 : memref<16xi32, #tpu.memory_space<hbm>>) dst(%arg13 : memref<16xi32, #tpu.memory_space<vmem>>)
      tpu.yield
    }) : () -> ()
    %add3A_16 = arith.constant 9984 : i32
    %add3A_17 = arith.addi %mul3A_2, %add3A_16 : i32
    "tpu.region"() ({
      %run_scoped3A = tpu.sem_alloc : memref<!tpu.dma_semaphore, #tpu.memory_space<semaphore_mem>>
      %dma_start3A_28 = tpu.memref_slice %arg4[%add3A_17] : memref<320000xi32, #tpu.memory_space<hbm>> -> memref<16xi32, #tpu.memory_space<hbm>>
      %dma_start3A_29 = tpu.memref_slice %arg4[%add3A_17] : memref<320000xi32, #tpu.memory_space<hbm>> -> memref<16xi32, #tpu.memory_space<hbm>>
      tpu.enqueue_dma source(%dma_start3A_29 : memref<16xi32, #tpu.memory_space<hbm>>) target(%arg14 : memref<16xi32, #tpu.memory_space<vmem>>) target_semaphore(%run_scoped3A : memref<!tpu.dma_semaphore, #tpu.memory_space<semaphore_mem>>)
      %dma_wait3A_30 = tpu.memref_slice %arg4[%add3A_17] : memref<320000xi32, #tpu.memory_space<hbm>> -> memref<16xi32, #tpu.memory_space<hbm>>
      %dma_wait3A_31 = tpu.memref_slice %arg4[%add3A_17] : memref<320000xi32, #tpu.memory_space<hbm>> -> memref<16xi32, #tpu.memory_space<hbm>>
      tpu.wait_dma2 semaphore(%run_scoped3A : memref<!tpu.dma_semaphore, #tpu.memory_space<semaphore_mem>>) src(%dma_wait3A_31 : memref<16xi32, #tpu.memory_space<hbm>>) dst(%arg14 : memref<16xi32, #tpu.memory_space<vmem>>)
      tpu.yield
    }) : () -> ()
    %dma_start3A_18 = arith.constant 0 : i32
    %dma_start3A_19 = arith.constant 0 : i32
    %dma_start3A_20 = tpu.memref_slice %arg2[%dma_start3A_18, %dma_start3A_19] : memref<10000x128xf32, #tpu.memory_space<hbm>> -> memref<10000x128xf32, #tpu.memory_space<hbm>>
    tpu.enqueue_indirect_dma source(%dma_start3A_20 : memref<10000x128xf32, #tpu.memory_space<hbm>>) target(%arg15 : memref<16x128xf32, #tpu.memory_space<vmem>>) offsets(%arg13 : memref<16xi32, #tpu.memory_space<vmem>>) semaphore(%arg19 : memref<!tpu.dma_semaphore, #tpu.memory_space<semaphore_mem>>)
    %dma_wait3A = arith.constant 0 : i32
    %dma_wait3A_21 = arith.constant 0 : i32
    %dma_wait3A_22 = tpu.memref_slice %arg2[%dma_wait3A, %dma_wait3A_21] : memref<10000x128xf32, #tpu.memory_space<hbm>> -> memref<10000x128xf32, #tpu.memory_space<hbm>>
    tpu.wait_indirect_dma semaphore(%arg19 : memref<!tpu.dma_semaphore, #tpu.memory_space<semaphore_mem>>) src(%dma_wait3A_22 : memref<10000x128xf32, #tpu.memory_space<hbm>>) dst(%arg15 : memref<16x128xf32, #tpu.memory_space<vmem>>)
    "tpu.region"() ({
      %run_scoped3A = tpu.sem_alloc : memref<!tpu.dma_semaphore, #tpu.memory_space<semaphore_mem>>
      %dma_start3A_28 = arith.constant 0 : i32
      %dma_start3A_29 = arith.constant 0 : i32
      %dma_start3A_30 = tpu.memref_slice %arg16[%dma_start3A_28, %dma_start3A_29] : memref<10240x128xf32, #tpu.memory_space<vmem_shared>> -> memref<10240x128xf32, #tpu.memory_space<vmem_shared>>
      tpu.enqueue_indirect_dma source(%arg15 : memref<16x128xf32, #tpu.memory_space<vmem>>) target(%dma_start3A_30 : memref<10240x128xf32, #tpu.memory_space<vmem_shared>>) offsets(%arg14 : memref<16xi32, #tpu.memory_space<vmem>>) semaphore(%run_scoped3A : memref<!tpu.dma_semaphore, #tpu.memory_space<semaphore_mem>>) {add = true}
      %dma_wait3A_31 = arith.constant 0 : i32
      %dma_wait3A_32 = arith.constant 0 : i32
      %dma_wait3A_33 = tpu.memref_slice %arg16[%dma_wait3A_31, %dma_wait3A_32] : memref<10240x128xf32, #tpu.memory_space<vmem_shared>> -> memref<10240x128xf32, #tpu.memory_space<vmem_shared>>
      tpu.wait_indirect_dma semaphore(%run_scoped3A : memref<!tpu.dma_semaphore, #tpu.memory_space<semaphore_mem>>) src(%arg15 : memref<16x128xf32, #tpu.memory_space<vmem>>) dst(%dma_wait3A_33 : memref<10240x128xf32, #tpu.memory_space<vmem_shared>>)
      tpu.yield
    }) : () -> ()
    %barrier3A_23 = arith.constant 0 : index
    tpu.barrier barrier_id(%barrier3A_23)
    %mul3A_24 = arith.constant 640 : i32
    %mul3A_25 = arith.muli %arg1, %mul3A_24 : i32
    %mul3A_26 = arith.constant 640 : i32
    %mul3A_27 = arith.muli %arg1, %mul3A_26 : i32
    "tpu.region"() ({
      %run_scoped3A = tpu.sem_alloc : memref<!tpu.dma_semaphore, #tpu.memory_space<semaphore_mem>>
      %dma_start3A_28 = arith.constant 0 : i32
      %dma_start3A_29 = tpu.memref_slice %arg6[%arg0, %mul3A_27, %dma_start3A_28] : memref<2x10240x128xf32, #tpu.memory_space<hbm>> -> memref<1x640x128xf32, #tpu.memory_space<hbm>>
      %dma_start3A_30 = tpu.memref_squeeze %dma_start3A_29 : memref<1x640x128xf32, #tpu.memory_space<hbm>> -> memref<640x128xf32, #tpu.memory_space<hbm>>
      %dma_start3A_31 = arith.constant 0 : i32
      %dma_start3A_32 = tpu.memref_slice %arg16[%mul3A_25, %dma_start3A_31] : memref<10240x128xf32, #tpu.memory_space<vmem_shared>> -> memref<640x128xf32, #tpu.memory_space<vmem_shared>>
      tpu.enqueue_dma source(%dma_start3A_32 : memref<640x128xf32, #tpu.memory_space<vmem_shared>>) target(%dma_start3A_30 : memref<640x128xf32, #tpu.memory_space<hbm>>) target_semaphore(%run_scoped3A : memref<!tpu.dma_semaphore, #tpu.memory_space<semaphore_mem>>)
      %dma_wait3A_33 = arith.constant 0 : i32
      %dma_wait3A_34 = tpu.memref_slice %arg6[%arg0, %mul3A_27, %dma_wait3A_33] : memref<2x10240x128xf32, #tpu.memory_space<hbm>> -> memref<1x640x128xf32, #tpu.memory_space<hbm>>
      %dma_wait3A_35 = tpu.memref_squeeze %dma_wait3A_34 : memref<1x640x128xf32, #tpu.memory_space<hbm>> -> memref<640x128xf32, #tpu.memory_space<hbm>>
      %dma_wait3A_36 = arith.constant 0 : i32
      %dma_wait3A_37 = tpu.memref_slice %arg16[%mul3A_25, %dma_wait3A_36] : memref<10240x128xf32, #tpu.memory_space<vmem_shared>> -> memref<640x128xf32, #tpu.memory_space<vmem_shared>>
      tpu.wait_dma2 semaphore(%run_scoped3A : memref<!tpu.dma_semaphore, #tpu.memory_space<semaphore_mem>>) src(%dma_wait3A_37 : memref<640x128xf32, #tpu.memory_space<vmem_shared>>) dst(%dma_wait3A_35 : memref<640x128xf32, #tpu.memory_space<hbm>>)
      tpu.yield
    }) : () -> ()
    return
  }
}

#map = affine_map<(d0, d1) -> (0, 0)>
#map1 = affine_map<(d0, d1) -> (0)>
#map2 = affine_map<(d0, d1) -> (0, 0, 0)>
module attributes {stable_mosaic.version = 14 : i64} {
  func.func @_agg_kernel_body(%arg0: i32, %arg1: i32, %arg2: memref<10000x128xf32, #tpu.memory_space<hbm>>, %arg3: memref<320000xi32, #tpu.memory_space<hbm>>, %arg4: memref<320000xi32, #tpu.memory_space<hbm>>, %arg5: memref<10240x128xf32, #tpu.memory_space<hbm>>, %arg6: memref<2x10240x128xf32, #tpu.memory_space<hbm>>, %arg7: memref<128xi32, #tpu.memory_space<vmem>>, %arg8: memref<128xi32, #tpu.memory_space<vmem>>, %arg9: memref<128x128xf32, #tpu.memory_space<vmem>>, %arg10: memref<128xi32, #tpu.memory_space<vmem>>, %arg11: memref<128xi32, #tpu.memory_space<vmem>>, %arg12: memref<128x128xf32, #tpu.memory_space<vmem>>, %arg13: memref<16xi32, #tpu.memory_space<vmem>>, %arg14: memref<16xi32, #tpu.memory_space<vmem>>, %arg15: memref<16x128xf32, #tpu.memory_space<vmem>>, %arg16: memref<10240x128xf32, #tpu.memory_space<vmem_shared>>, %arg17: memref<!tpu.dma_semaphore, #tpu.memory_space<semaphore_mem>>, %arg18: memref<!tpu.dma_semaphore, #tpu.memory_space<semaphore_mem>>, %arg19: memref<!tpu.dma_semaphore, #tpu.memory_space<semaphore_mem>>) attributes {dimension_semantics = [#tpu.dimension_semantics<core_parallel>, #tpu.dimension_semantics<subcore_parallel>], iteration_bounds = array<i64: 2, 16>, scalar_prefetch = 0 : i64, scratch_operands = 13 : i64, tpu.core_type = #tpu.core_type<sc_vector_subcore>, window_params = [{transform_indices = #map}, {transform_indices = #map1}, {transform_indices = #map1}, {transform_indices = #map}, {transform_indices = #map2}]} {
    %mul3A = arith.constant 2 : i32
    %mul3A_0 = arith.muli %arg1, %mul3A : i32
    %add3A = arith.addi %mul3A_0, %arg0 : i32
    %mul3A_1 = arith.constant 10000 : i32
    %mul3A_2 = arith.muli %add3A, %mul3A_1 : i32
    "tpu.region"() ({
      %run_scoped3A = tpu.sem_alloc : memref<!tpu.dma_semaphore, #tpu.memory_space<semaphore_mem>>
      %dma_start3A_28 = tpu.memref_slice %arg3[%mul3A_2] : memref<320000xi32, #tpu.memory_space<hbm>> -> memref<128xi32, #tpu.memory_space<hbm>>
      %dma_start3A_29 = tpu.memref_slice %arg3[%mul3A_2] : memref<320000xi32, #tpu.memory_space<hbm>> -> memref<128xi32, #tpu.memory_space<hbm>>
      tpu.enqueue_dma source(%dma_start3A_29 : memref<128xi32, #tpu.memory_space<hbm>>) target(%arg7 : memref<128xi32, #tpu.memory_space<vmem>>) target_semaphore(%run_scoped3A : memref<!tpu.dma_semaphore, #tpu.memory_space<semaphore_mem>>)
      %dma_wait3A_30 = tpu.memref_slice %arg3[%mul3A_2] : memref<320000xi32, #tpu.memory_space<hbm>> -> memref<128xi32, #tpu.memory_space<hbm>>
      %dma_wait3A_31 = tpu.memref_slice %arg3[%mul3A_2] : memref<320000xi32, #tpu.memory_space<hbm>> -> memref<128xi32, #tpu.memory_space<hbm>>
      tpu.wait_dma2 semaphore(%run_scoped3A : memref<!tpu.dma_semaphore, #tpu.memory_space<semaphore_mem>>) src(%dma_wait3A_31 : memref<128xi32, #tpu.memory_space<hbm>>) dst(%arg7 : memref<128xi32, #tpu.memory_space<vmem>>)
      tpu.yield
    }) : () -> ()
    %dma_start3A = arith.constant 0 : i32
    %dma_start3A_3 = arith.constant 0 : i32
    %dma_start3A_4 = tpu.memref_slice %arg2[%dma_start3A, %dma_start3A_3] : memref<10000x128xf32, #tpu.memory_space<hbm>> -> memref<10000x128xf32, #tpu.memory_space<hbm>>
    tpu.enqueue_indirect_dma source(%dma_start3A_4 : memref<10000x128xf32, #tpu.memory_space<hbm>>) target(%arg9 : memref<128x128xf32, #tpu.memory_space<vmem>>) offsets(%arg7 : memref<128xi32, #tpu.memory_space<vmem>>) semaphore(%arg17 : memref<!tpu.dma_semaphore, #tpu.memory_space<semaphore_mem>>)
    "tpu.region"() ({
      %run_scoped3A = tpu.sem_alloc : memref<!tpu.dma_semaphore, #tpu.memory_space<semaphore_mem>>
      %dma_start3A_28 = tpu.memref_slice %arg4[%mul3A_2] : memref<320000xi32, #tpu.memory_space<hbm>> -> memref<128xi32, #tpu.memory_space<hbm>>
      %dma_start3A_29 = tpu.memref_slice %arg4[%mul3A_2] : memref<320000xi32, #tpu.memory_space<hbm>> -> memref<128xi32, #tpu.memory_space<hbm>>
      tpu.enqueue_dma source(%dma_start3A_29 : memref<128xi32, #tpu.memory_space<hbm>>) target(%arg8 : memref<128xi32, #tpu.memory_space<vmem>>) target_semaphore(%run_scoped3A : memref<!tpu.dma_semaphore, #tpu.memory_space<semaphore_mem>>)
      %dma_wait3A_30 = tpu.memref_slice %arg4[%mul3A_2] : memref<320000xi32, #tpu.memory_space<hbm>> -> memref<128xi32, #tpu.memory_space<hbm>>
      %dma_wait3A_31 = tpu.memref_slice %arg4[%mul3A_2] : memref<320000xi32, #tpu.memory_space<hbm>> -> memref<128xi32, #tpu.memory_space<hbm>>
      tpu.wait_dma2 semaphore(%run_scoped3A : memref<!tpu.dma_semaphore, #tpu.memory_space<semaphore_mem>>) src(%dma_wait3A_31 : memref<128xi32, #tpu.memory_space<hbm>>) dst(%arg8 : memref<128xi32, #tpu.memory_space<vmem>>)
      tpu.yield
    }) : () -> ()
    %mul3A_5 = arith.constant 640 : i32
    %mul3A_6 = arith.muli %arg1, %mul3A_5 : i32
    %mul3A_7 = arith.constant 640 : i32
    %mul3A_8 = arith.muli %arg1, %mul3A_7 : i32
    "tpu.region"() ({
      %run_scoped3A = tpu.sem_alloc : memref<!tpu.dma_semaphore, #tpu.memory_space<semaphore_mem>>
      %dma_start3A_28 = arith.constant 0 : i32
      %dma_start3A_29 = tpu.memref_slice %arg16[%mul3A_8, %dma_start3A_28] : memref<10240x128xf32, #tpu.memory_space<vmem_shared>> -> memref<640x128xf32, #tpu.memory_space<vmem_shared>>
      %dma_start3A_30 = arith.constant 0 : i32
      %dma_start3A_31 = tpu.memref_slice %arg5[%mul3A_6, %dma_start3A_30] : memref<10240x128xf32, #tpu.memory_space<hbm>> -> memref<640x128xf32, #tpu.memory_space<hbm>>
      tpu.enqueue_dma source(%dma_start3A_31 : memref<640x128xf32, #tpu.memory_space<hbm>>) target(%dma_start3A_29 : memref<640x128xf32, #tpu.memory_space<vmem_shared>>) target_semaphore(%run_scoped3A : memref<!tpu.dma_semaphore, #tpu.memory_space<semaphore_mem>>)
      %dma_wait3A_32 = arith.constant 0 : i32
      %dma_wait3A_33 = tpu.memref_slice %arg16[%mul3A_8, %dma_wait3A_32] : memref<10240x128xf32, #tpu.memory_space<vmem_shared>> -> memref<640x128xf32, #tpu.memory_space<vmem_shared>>
      %dma_wait3A_34 = arith.constant 0 : i32
      %dma_wait3A_35 = tpu.memref_slice %arg5[%mul3A_6, %dma_wait3A_34] : memref<10240x128xf32, #tpu.memory_space<hbm>> -> memref<640x128xf32, #tpu.memory_space<hbm>>
      tpu.wait_dma2 semaphore(%run_scoped3A : memref<!tpu.dma_semaphore, #tpu.memory_space<semaphore_mem>>) src(%dma_wait3A_35 : memref<640x128xf32, #tpu.memory_space<hbm>>) dst(%dma_wait3A_33 : memref<640x128xf32, #tpu.memory_space<vmem_shared>>)
      tpu.yield
    }) : () -> ()
    %barrier3A = arith.constant 0 : index
    tpu.barrier barrier_id(%barrier3A)
    %scan3A = arith.constant 0 : i32
    %scan3A_9 = arith.constant 0 : i32
    %scan3A_10 = arith.constant 39 : i32
    %scan3A_11 = arith.addi %scan3A_9, %scan3A_10 : i32
    %scan3A_12 = arith.constant 1 : i32
    scf.for %scan3A_28 = %scan3A_9 to %scan3A_11 step %scan3A_12  : i32 {
      %mul3A_29 = arith.constant 2 : i32
      %mul3A_30 = arith.muli %mul3A_29, %scan3A_28 : i32
      %add3A_31 = arith.constant 1 : i32
      %add3A_32 = arith.addi %mul3A_30, %add3A_31 : i32
      %mul3A_33 = arith.constant 128 : i32
      %mul3A_34 = arith.muli %add3A_32, %mul3A_33 : i32
      %add3A_35 = arith.addi %mul3A_2, %mul3A_34 : i32
      "tpu.region"() ({
        %run_scoped3A = tpu.sem_alloc : memref<!tpu.dma_semaphore, #tpu.memory_space<semaphore_mem>>
        %dma_start3A_50 = tpu.memref_slice %arg3[%add3A_35] : memref<320000xi32, #tpu.memory_space<hbm>> -> memref<128xi32, #tpu.memory_space<hbm>>
        %dma_start3A_51 = tpu.memref_slice %arg3[%add3A_35] : memref<320000xi32, #tpu.memory_space<hbm>> -> memref<128xi32, #tpu.memory_space<hbm>>
        tpu.enqueue_dma source(%dma_start3A_51 : memref<128xi32, #tpu.memory_space<hbm>>) target(%arg10 : memref<128xi32, #tpu.memory_space<vmem>>) target_semaphore(%run_scoped3A : memref<!tpu.dma_semaphore, #tpu.memory_space<semaphore_mem>>)
        %dma_wait3A_52 = tpu.memref_slice %arg3[%add3A_35] : memref<320000xi32, #tpu.memory_space<hbm>> -> memref<128xi32, #tpu.memory_space<hbm>>
        %dma_wait3A_53 = tpu.memref_slice %arg3[%add3A_35] : memref<320000xi32, #tpu.memory_space<hbm>> -> memref<128xi32, #tpu.memory_space<hbm>>
        tpu.wait_dma2 semaphore(%run_scoped3A : memref<!tpu.dma_semaphore, #tpu.memory_space<semaphore_mem>>) src(%dma_wait3A_53 : memref<128xi32, #tpu.memory_space<hbm>>) dst(%arg10 : memref<128xi32, #tpu.memory_space<vmem>>)
        tpu.yield
      }) : () -> ()
      %dma_start3A_36 = arith.constant 0 : i32
      %dma_start3A_37 = arith.constant 0 : i32
      %dma_start3A_38 = tpu.memref_slice %arg2[%dma_start3A_36, %dma_start3A_37] : memref<10000x128xf32, #tpu.memory_space<hbm>> -> memref<10000x128xf32, #tpu.memory_space<hbm>>
      tpu.enqueue_indirect_dma source(%dma_start3A_38 : memref<10000x128xf32, #tpu.memory_space<hbm>>) target(%arg12 : memref<128x128xf32, #tpu.memory_space<vmem>>) offsets(%arg10 : memref<128xi32, #tpu.memory_space<vmem>>) semaphore(%arg18 : memref<!tpu.dma_semaphore, #tpu.memory_space<semaphore_mem>>)
      %mul3A_39 = arith.constant 128 : i32
      %mul3A_40 = arith.muli %add3A_32, %mul3A_39 : i32
      %add3A_41 = arith.addi %mul3A_2, %mul3A_40 : i32
      "tpu.region"() ({
        %run_scoped3A = tpu.sem_alloc : memref<!tpu.dma_semaphore, #tpu.memory_space<semaphore_mem>>
        %dma_start3A_50 = tpu.memref_slice %arg4[%add3A_41] : memref<320000xi32, #tpu.memory_space<hbm>> -> memref<128xi32, #tpu.memory_space<hbm>>
        %dma_start3A_51 = tpu.memref_slice %arg4[%add3A_41] : memref<320000xi32, #tpu.memory_space<hbm>> -> memref<128xi32, #tpu.memory_space<hbm>>
        tpu.enqueue_dma source(%dma_start3A_51 : memref<128xi32, #tpu.memory_space<hbm>>) target(%arg11 : memref<128xi32, #tpu.memory_space<vmem>>) target_semaphore(%run_scoped3A : memref<!tpu.dma_semaphore, #tpu.memory_space<semaphore_mem>>)
        %dma_wait3A_52 = tpu.memref_slice %arg4[%add3A_41] : memref<320000xi32, #tpu.memory_space<hbm>> -> memref<128xi32, #tpu.memory_space<hbm>>
        %dma_wait3A_53 = tpu.memref_slice %arg4[%add3A_41] : memref<320000xi32, #tpu.memory_space<hbm>> -> memref<128xi32, #tpu.memory_space<hbm>>
        tpu.wait_dma2 semaphore(%run_scoped3A : memref<!tpu.dma_semaphore, #tpu.memory_space<semaphore_mem>>) src(%dma_wait3A_53 : memref<128xi32, #tpu.memory_space<hbm>>) dst(%arg11 : memref<128xi32, #tpu.memory_space<vmem>>)
        tpu.yield
      }) : () -> ()
      %dma_wait3A_42 = arith.constant 0 : i32
      %dma_wait3A_43 = arith.constant 0 : i32
      %dma_wait3A_44 = tpu.memref_slice %arg2[%dma_wait3A_42, %dma_wait3A_43] : memref<10000x128xf32, #tpu.memory_space<hbm>> -> memref<10000x128xf32, #tpu.memory_space<hbm>>
      tpu.wait_indirect_dma semaphore(%arg17 : memref<!tpu.dma_semaphore, #tpu.memory_space<semaphore_mem>>) src(%dma_wait3A_44 : memref<10000x128xf32, #tpu.memory_space<hbm>>) dst(%arg9 : memref<128x128xf32, #tpu.memory_space<vmem>>)
      "tpu.region"() ({
        %run_scoped3A = tpu.sem_alloc : memref<!tpu.dma_semaphore, #tpu.memory_space<semaphore_mem>>
        %dma_start3A_50 = arith.constant 0 : i32
        %dma_start3A_51 = arith.constant 0 : i32
        %dma_start3A_52 = tpu.memref_slice %arg16[%dma_start3A_50, %dma_start3A_51] : memref<10240x128xf32, #tpu.memory_space<vmem_shared>> -> memref<10240x128xf32, #tpu.memory_space<vmem_shared>>
        tpu.enqueue_indirect_dma source(%arg9 : memref<128x128xf32, #tpu.memory_space<vmem>>) target(%dma_start3A_52 : memref<10240x128xf32, #tpu.memory_space<vmem_shared>>) offsets(%arg8 : memref<128xi32, #tpu.memory_space<vmem>>) semaphore(%run_scoped3A : memref<!tpu.dma_semaphore, #tpu.memory_space<semaphore_mem>>) {add = true}
        %dma_wait3A_53 = arith.constant 0 : i32
        %dma_wait3A_54 = arith.constant 0 : i32
        %dma_wait3A_55 = tpu.memref_slice %arg16[%dma_wait3A_53, %dma_wait3A_54] : memref<10240x128xf32, #tpu.memory_space<vmem_shared>> -> memref<10240x128xf32, #tpu.memory_space<vmem_shared>>
        tpu.wait_indirect_dma semaphore(%run_scoped3A : memref<!tpu.dma_semaphore, #tpu.memory_space<semaphore_mem>>) src(%arg9 : memref<128x128xf32, #tpu.memory_space<vmem>>) dst(%dma_wait3A_55 : memref<10240x128xf32, #tpu.memory_space<vmem_shared>>)
        tpu.yield
      }) : () -> ()
      %lt3A = arith.constant 38 : i32
      %lt3A_45 = arith.cmpi slt, %scan3A_28, %lt3A : i32
      %convert_element_type3A = arith.extui %lt3A_45 : i1 to i32
      %cond3A = arith.constant 0 : i32
      %cond3A_46 = arith.cmpi ne, %convert_element_type3A, %cond3A : i32
      scf.if %cond3A_46 {
        %mul3A_50 = arith.constant 2 : i32
        %mul3A_51 = arith.muli %mul3A_50, %scan3A_28 : i32
        %add3A_52 = arith.constant 2 : i32
        %add3A_53 = arith.addi %mul3A_51, %add3A_52 : i32
        %mul3A_54 = arith.constant 128 : i32
        %mul3A_55 = arith.muli %add3A_53, %mul3A_54 : i32
        %add3A_56 = arith.addi %mul3A_2, %mul3A_55 : i32
        "tpu.region"() ({
          %run_scoped3A = tpu.sem_alloc : memref<!tpu.dma_semaphore, #tpu.memory_space<semaphore_mem>>
          %dma_start3A_63 = tpu.memref_slice %arg3[%add3A_56] : memref<320000xi32, #tpu.memory_space<hbm>> -> memref<128xi32, #tpu.memory_space<hbm>>
          %dma_start3A_64 = tpu.memref_slice %arg3[%add3A_56] : memref<320000xi32, #tpu.memory_space<hbm>> -> memref<128xi32, #tpu.memory_space<hbm>>
          tpu.enqueue_dma source(%dma_start3A_64 : memref<128xi32, #tpu.memory_space<hbm>>) target(%arg7 : memref<128xi32, #tpu.memory_space<vmem>>) target_semaphore(%run_scoped3A : memref<!tpu.dma_semaphore, #tpu.memory_space<semaphore_mem>>)
          %dma_wait3A_65 = tpu.memref_slice %arg3[%add3A_56] : memref<320000xi32, #tpu.memory_space<hbm>> -> memref<128xi32, #tpu.memory_space<hbm>>
          %dma_wait3A_66 = tpu.memref_slice %arg3[%add3A_56] : memref<320000xi32, #tpu.memory_space<hbm>> -> memref<128xi32, #tpu.memory_space<hbm>>
          tpu.wait_dma2 semaphore(%run_scoped3A : memref<!tpu.dma_semaphore, #tpu.memory_space<semaphore_mem>>) src(%dma_wait3A_66 : memref<128xi32, #tpu.memory_space<hbm>>) dst(%arg7 : memref<128xi32, #tpu.memory_space<vmem>>)
          tpu.yield
        }) : () -> ()
        %dma_start3A_57 = arith.constant 0 : i32
        %dma_start3A_58 = arith.constant 0 : i32
        %dma_start3A_59 = tpu.memref_slice %arg2[%dma_start3A_57, %dma_start3A_58] : memref<10000x128xf32, #tpu.memory_space<hbm>> -> memref<10000x128xf32, #tpu.memory_space<hbm>>
        tpu.enqueue_indirect_dma source(%dma_start3A_59 : memref<10000x128xf32, #tpu.memory_space<hbm>>) target(%arg9 : memref<128x128xf32, #tpu.memory_space<vmem>>) offsets(%arg7 : memref<128xi32, #tpu.memory_space<vmem>>) semaphore(%arg17 : memref<!tpu.dma_semaphore, #tpu.memory_space<semaphore_mem>>)
        %mul3A_60 = arith.constant 128 : i32
        %mul3A_61 = arith.muli %add3A_53, %mul3A_60 : i32
        %add3A_62 = arith.addi %mul3A_2, %mul3A_61 : i32
        "tpu.region"() ({
          %run_scoped3A = tpu.sem_alloc : memref<!tpu.dma_semaphore, #tpu.memory_space<semaphore_mem>>
          %dma_start3A_63 = tpu.memref_slice %arg4[%add3A_62] : memref<320000xi32, #tpu.memory_space<hbm>> -> memref<128xi32, #tpu.memory_space<hbm>>
          %dma_start3A_64 = tpu.memref_slice %arg4[%add3A_62] : memref<320000xi32, #tpu.memory_space<hbm>> -> memref<128xi32, #tpu.memory_space<hbm>>
          tpu.enqueue_dma source(%dma_start3A_64 : memref<128xi32, #tpu.memory_space<hbm>>) target(%arg8 : memref<128xi32, #tpu.memory_space<vmem>>) target_semaphore(%run_scoped3A : memref<!tpu.dma_semaphore, #tpu.memory_space<semaphore_mem>>)
          %dma_wait3A_65 = tpu.memref_slice %arg4[%add3A_62] : memref<320000xi32, #tpu.memory_space<hbm>> -> memref<128xi32, #tpu.memory_space<hbm>>
          %dma_wait3A_66 = tpu.memref_slice %arg4[%add3A_62] : memref<320000xi32, #tpu.memory_space<hbm>> -> memref<128xi32, #tpu.memory_space<hbm>>
          tpu.wait_dma2 semaphore(%run_scoped3A : memref<!tpu.dma_semaphore, #tpu.memory_space<semaphore_mem>>) src(%dma_wait3A_66 : memref<128xi32, #tpu.memory_space<hbm>>) dst(%arg8 : memref<128xi32, #tpu.memory_space<vmem>>)
          tpu.yield
        }) : () -> ()
      } else {
      }
      %dma_wait3A_47 = arith.constant 0 : i32
      %dma_wait3A_48 = arith.constant 0 : i32
      %dma_wait3A_49 = tpu.memref_slice %arg2[%dma_wait3A_47, %dma_wait3A_48] : memref<10000x128xf32, #tpu.memory_space<hbm>> -> memref<10000x128xf32, #tpu.memory_space<hbm>>
      tpu.wait_indirect_dma semaphore(%arg18 : memref<!tpu.dma_semaphore, #tpu.memory_space<semaphore_mem>>) src(%dma_wait3A_49 : memref<10000x128xf32, #tpu.memory_space<hbm>>) dst(%arg12 : memref<128x128xf32, #tpu.memory_space<vmem>>)
      "tpu.region"() ({
        %run_scoped3A = tpu.sem_alloc : memref<!tpu.dma_semaphore, #tpu.memory_space<semaphore_mem>>
        %dma_start3A_50 = arith.constant 0 : i32
        %dma_start3A_51 = arith.constant 0 : i32
        %dma_start3A_52 = tpu.memref_slice %arg16[%dma_start3A_50, %dma_start3A_51] : memref<10240x128xf32, #tpu.memory_space<vmem_shared>> -> memref<10240x128xf32, #tpu.memory_space<vmem_shared>>
        tpu.enqueue_indirect_dma source(%arg12 : memref<128x128xf32, #tpu.memory_space<vmem>>) target(%dma_start3A_52 : memref<10240x128xf32, #tpu.memory_space<vmem_shared>>) offsets(%arg11 : memref<128xi32, #tpu.memory_space<vmem>>) semaphore(%run_scoped3A : memref<!tpu.dma_semaphore, #tpu.memory_space<semaphore_mem>>) {add = true}
        %dma_wait3A_53 = arith.constant 0 : i32
        %dma_wait3A_54 = arith.constant 0 : i32
        %dma_wait3A_55 = tpu.memref_slice %arg16[%dma_wait3A_53, %dma_wait3A_54] : memref<10240x128xf32, #tpu.memory_space<vmem_shared>> -> memref<10240x128xf32, #tpu.memory_space<vmem_shared>>
        tpu.wait_indirect_dma semaphore(%run_scoped3A : memref<!tpu.dma_semaphore, #tpu.memory_space<semaphore_mem>>) src(%arg12 : memref<128x128xf32, #tpu.memory_space<vmem>>) dst(%dma_wait3A_55 : memref<10240x128xf32, #tpu.memory_space<vmem_shared>>)
        tpu.yield
      }) : () -> ()
    }
    %scan3A_13 = arith.constant 39 : i32
    %add3A_14 = arith.constant 9984 : i32
    %add3A_15 = arith.addi %mul3A_2, %add3A_14 : i32
    "tpu.region"() ({
      %run_scoped3A = tpu.sem_alloc : memref<!tpu.dma_semaphore, #tpu.memory_space<semaphore_mem>>
      %dma_start3A_28 = tpu.memref_slice %arg3[%add3A_15] : memref<320000xi32, #tpu.memory_space<hbm>> -> memref<16xi32, #tpu.memory_space<hbm>>
      %dma_start3A_29 = tpu.memref_slice %arg3[%add3A_15] : memref<320000xi32, #tpu.memory_space<hbm>> -> memref<16xi32, #tpu.memory_space<hbm>>
      tpu.enqueue_dma source(%dma_start3A_29 : memref<16xi32, #tpu.memory_space<hbm>>) target(%arg13 : memref<16xi32, #tpu.memory_space<vmem>>) target_semaphore(%run_scoped3A : memref<!tpu.dma_semaphore, #tpu.memory_space<semaphore_mem>>)
      %dma_wait3A_30 = tpu.memref_slice %arg3[%add3A_15] : memref<320000xi32, #tpu.memory_space<hbm>> -> memref<16xi32, #tpu.memory_space<hbm>>
      %dma_wait3A_31 = tpu.memref_slice %arg3[%add3A_15] : memref<320000xi32, #tpu.memory_space<hbm>> -> memref<16xi32, #tpu.memory_space<hbm>>
      tpu.wait_dma2 semaphore(%run_scoped3A : memref<!tpu.dma_semaphore, #tpu.memory_space<semaphore_mem>>) src(%dma_wait3A_31 : memref<16xi32, #tpu.memory_space<hbm>>) dst(%arg13 : memref<16xi32, #tpu.memory_space<vmem>>)
      tpu.yield
    }) : () -> ()
    %add3A_16 = arith.constant 9984 : i32
    %add3A_17 = arith.addi %mul3A_2, %add3A_16 : i32
    "tpu.region"() ({
      %run_scoped3A = tpu.sem_alloc : memref<!tpu.dma_semaphore, #tpu.memory_space<semaphore_mem>>
      %dma_start3A_28 = tpu.memref_slice %arg4[%add3A_17] : memref<320000xi32, #tpu.memory_space<hbm>> -> memref<16xi32, #tpu.memory_space<hbm>>
      %dma_start3A_29 = tpu.memref_slice %arg4[%add3A_17] : memref<320000xi32, #tpu.memory_space<hbm>> -> memref<16xi32, #tpu.memory_space<hbm>>
      tpu.enqueue_dma source(%dma_start3A_29 : memref<16xi32, #tpu.memory_space<hbm>>) target(%arg14 : memref<16xi32, #tpu.memory_space<vmem>>) target_semaphore(%run_scoped3A : memref<!tpu.dma_semaphore, #tpu.memory_space<semaphore_mem>>)
      %dma_wait3A_30 = tpu.memref_slice %arg4[%add3A_17] : memref<320000xi32, #tpu.memory_space<hbm>> -> memref<16xi32, #tpu.memory_space<hbm>>
      %dma_wait3A_31 = tpu.memref_slice %arg4[%add3A_17] : memref<320000xi32, #tpu.memory_space<hbm>> -> memref<16xi32, #tpu.memory_space<hbm>>
      tpu.wait_dma2 semaphore(%run_scoped3A : memref<!tpu.dma_semaphore, #tpu.memory_space<semaphore_mem>>) src(%dma_wait3A_31 : memref<16xi32, #tpu.memory_space<hbm>>) dst(%arg14 : memref<16xi32, #tpu.memory_space<vmem>>)
      tpu.yield
    }) : () -> ()
    %dma_start3A_18 = arith.constant 0 : i32
    %dma_start3A_19 = arith.constant 0 : i32
    %dma_start3A_20 = tpu.memref_slice %arg2[%dma_start3A_18, %dma_start3A_19] : memref<10000x128xf32, #tpu.memory_space<hbm>> -> memref<10000x128xf32, #tpu.memory_space<hbm>>
    tpu.enqueue_indirect_dma source(%dma_start3A_20 : memref<10000x128xf32, #tpu.memory_space<hbm>>) target(%arg15 : memref<16x128xf32, #tpu.memory_space<vmem>>) offsets(%arg13 : memref<16xi32, #tpu.memory_space<vmem>>) semaphore(%arg19 : memref<!tpu.dma_semaphore, #tpu.memory_space<semaphore_mem>>)
    %dma_wait3A = arith.constant 0 : i32
    %dma_wait3A_21 = arith.constant 0 : i32
    %dma_wait3A_22 = tpu.memref_slice %arg2[%dma_wait3A, %dma_wait3A_21] : memref<10000x128xf32, #tpu.memory_space<hbm>> -> memref<10000x128xf32, #tpu.memory_space<hbm>>
    tpu.wait_indirect_dma semaphore(%arg19 : memref<!tpu.dma_semaphore, #tpu.memory_space<semaphore_mem>>) src(%dma_wait3A_22 : memref<10000x128xf32, #tpu.memory_space<hbm>>) dst(%arg15 : memref<16x128xf32, #tpu.memory_space<vmem>>)
    "tpu.region"() ({
      %run_scoped3A = tpu.sem_alloc : memref<!tpu.dma_semaphore, #tpu.memory_space<semaphore_mem>>
      %dma_start3A_28 = arith.constant 0 : i32
      %dma_start3A_29 = arith.constant 0 : i32
      %dma_start3A_30 = tpu.memref_slice %arg16[%dma_start3A_28, %dma_start3A_29] : memref<10240x128xf32, #tpu.memory_space<vmem_shared>> -> memref<10240x128xf32, #tpu.memory_space<vmem_shared>>
      tpu.enqueue_indirect_dma source(%arg15 : memref<16x128xf32, #tpu.memory_space<vmem>>) target(%dma_start3A_30 : memref<10240x128xf32, #tpu.memory_space<vmem_shared>>) offsets(%arg14 : memref<16xi32, #tpu.memory_space<vmem>>) semaphore(%run_scoped3A : memref<!tpu.dma_semaphore, #tpu.memory_space<semaphore_mem>>) {add = true}
      %dma_wait3A_31 = arith.constant 0 : i32
      %dma_wait3A_32 = arith.constant 0 : i32
      %dma_wait3A_33 = tpu.memref_slice %arg16[%dma_wait3A_31, %dma_wait3A_32] : memref<10240x128xf32, #tpu.memory_space<vmem_shared>> -> memref<10240x128xf32, #tpu.memory_space<vmem_shared>>
      tpu.wait_indirect_dma semaphore(%run_scoped3A : memref<!tpu.dma_semaphore, #tpu.memory_space<semaphore_mem>>) src(%arg15 : memref<16x128xf32, #tpu.memory_space<vmem>>) dst(%dma_wait3A_33 : memref<10240x128xf32, #tpu.memory_space<vmem_shared>>)
      tpu.yield
    }) : () -> ()
    %barrier3A_23 = arith.constant 0 : index
    tpu.barrier barrier_id(%barrier3A_23)
    %mul3A_24 = arith.constant 640 : i32
    %mul3A_25 = arith.muli %arg1, %mul3A_24 : i32
    %mul3A_26 = arith.constant 640 : i32
    %mul3A_27 = arith.muli %arg1, %mul3A_26 : i32
    "tpu.region"() ({
      %run_scoped3A = tpu.sem_alloc : memref<!tpu.dma_semaphore, #tpu.memory_space<semaphore_mem>>
      %dma_start3A_28 = arith.constant 0 : i32
      %dma_start3A_29 = tpu.memref_slice %arg6[%arg0, %mul3A_27, %dma_start3A_28] : memref<2x10240x128xf32, #tpu.memory_space<hbm>> -> memref<1x640x128xf32, #tpu.memory_space<hbm>>
      %dma_start3A_30 = tpu.memref_squeeze %dma_start3A_29 : memref<1x640x128xf32, #tpu.memory_space<hbm>> -> memref<640x128xf32, #tpu.memory_space<hbm>>
      %dma_start3A_31 = arith.constant 0 : i32
      %dma_start3A_32 = tpu.memref_slice %arg16[%mul3A_25, %dma_start3A_31] : memref<10240x128xf32, #tpu.memory_space<vmem_shared>> -> memref<640x128xf32, #tpu.memory_space<vmem_shared>>
      tpu.enqueue_dma source(%dma_start3A_32 : memref<640x128xf32, #tpu.memory_space<vmem_shared>>) target(%dma_start3A_30 : memref<640x128xf32, #tpu.memory_space<hbm>>) target_semaphore(%run_scoped3A : memref<!tpu.dma_semaphore, #tpu.memory_space<semaphore_mem>>)
      %dma_wait3A_33 = arith.constant 0 : i32
      %dma_wait3A_34 = tpu.memref_slice %arg6[%arg0, %mul3A_27, %dma_wait3A_33] : memref<2x10240x128xf32, #tpu.memory_space<hbm>> -> memref<1x640x128xf32, #tpu.memory_space<hbm>>
      %dma_wait3A_35 = tpu.memref_squeeze %dma_wait3A_34 : memref<1x640x128xf32, #tpu.memory_space<hbm>> -> memref<640x128xf32, #tpu.memory_space<hbm>>
      %dma_wait3A_36 = arith.constant 0 : i32
      %dma_wait3A_37 = tpu.memref_slice %arg16[%mul3A_25, %dma_wait3A_36] : memref<10240x128xf32, #tpu.memory_space<vmem_shared>> -> memref<640x128xf32, #tpu.memory_space<vmem_shared>>
      tpu.wait_dma2 semaphore(%run_scoped3A : memref<!tpu.dma_semaphore, #tpu.memory_space<semaphore_mem>>) src(%dma_wait3A_37 : memref<640x128xf32, #tpu.memory_space<vmem_shared>>) dst(%dma_wait3A_35 : memref<640x128xf32, #tpu.memory_space<hbm>>)
      tpu.yield
    }) : () -> ()
    return
  }
}

module attributes {stable_mosaic.version = 14 : i64} {
  func.func @_tc2_body(%arg0: memref<2x10240x128xf32, #tpu.memory_space<vmem>>, %arg1: memref<10000x128xf32, #tpu.memory_space<vmem>>, %arg2: memref<10000x1xf32, #tpu.memory_space<vmem>>, %arg3: memref<128xf32, #tpu.memory_space<vmem>>, %arg4: memref<128x128xf32, #tpu.memory_space<vmem>>, %arg5: memref<10000x128xf32, #tpu.memory_space<vmem>>) attributes {dimension_semantics = [], scalar_prefetch = 0 : i64, scratch_operands = 0 : i64, tpu.core_type = #tpu.core_type<tc>} {
    %get3A = arith.constant 0 : index
    %get3A_0 = arith.constant 0 : index
    %get3A_1 = arith.constant 0 : index
    %get3A_2 = vector.load %arg0[%get3A, %get3A_0, %get3A_1] : memref<2x10240x128xf32, #tpu.memory_space<vmem>>, vector<1x10000x128xf32>
    %get3A_3 = vector.shape_cast %get3A_2 : vector<1x10000x128xf32> to vector<10000x128xf32>
    %get3A_4 = arith.constant 1 : index
    %get3A_5 = arith.constant 0 : index
    %get3A_6 = arith.constant 0 : index
    %get3A_7 = vector.load %arg0[%get3A_4, %get3A_5, %get3A_6] : memref<2x10240x128xf32, #tpu.memory_space<vmem>>, vector<1x10000x128xf32>
    %get3A_8 = vector.shape_cast %get3A_7 : vector<1x10000x128xf32> to vector<10000x128xf32>
    %add3A = arith.addf %get3A_3, %get3A_8 : vector<10000x128xf32>
    %get3A_9 = arith.constant 0 : index
    %get3A_10 = arith.constant 0 : index
    %get3A_11 = vector.load %arg1[%get3A_9, %get3A_10] : memref<10000x128xf32, #tpu.memory_space<vmem>>, vector<10000x128xf32>
    %add3A_12 = arith.addf %add3A, %get3A_11 : vector<10000x128xf32>
    %get3A_13 = arith.constant 0 : index
    %get3A_14 = arith.constant 0 : index
    %get3A_15 = vector.load %arg2[%get3A_13, %get3A_14] : memref<10000x1xf32, #tpu.memory_space<vmem>>, vector<10000x1xf32>
    %mul3A = vector.broadcast %get3A_15 : vector<10000x1xf32> to vector<10000x128xf32>
    %mul3A_16 = arith.mulf %add3A_12, %mul3A : vector<10000x128xf32>
    %get3A_17 = arith.constant 0 : index
    %get3A_18 = vector.load %arg3[%get3A_17] : memref<128xf32, #tpu.memory_space<vmem>>, vector<128xf32>
    %broadcast_in_dim3A = vector.shape_cast %get3A_18 : vector<128xf32> to vector<1x128xf32>
    %add3A_19 = vector.broadcast %broadcast_in_dim3A : vector<1x128xf32> to vector<10000x128xf32>
    %add3A_20 = arith.addf %mul3A_16, %add3A_19 : vector<10000x128xf32>
    %max3A = arith.constant 0.000000e+00 : f32
    %max3A_21 = vector.broadcast %max3A : f32 to vector<10000x128xf32>
    %max3A_22 = arith.maximumf %add3A_20, %max3A_21 : vector<10000x128xf32>
    %get3A_23 = arith.constant 0 : index
    %get3A_24 = arith.constant 0 : index
    %get3A_25 = vector.load %arg4[%get3A_23, %get3A_24] : memref<128x128xf32, #tpu.memory_space<vmem>>, vector<128x128xf32>
    %dot_general3A = arith.constant dense<0.000000e+00> : vector<10000x128xf32>
    %dot_general3A_26 = tpu.matmul %max3A_22, %get3A_25, %dot_general3A {dimension_numbers = #tpu.dot_dimension_numbers<[1], [0], [0], [1], [0, 0, 1, 1], [], []>, transpose_lhs_hint = false} : vector<10000x128xf32>, vector<128x128xf32>, vector<10000x128xf32> -> vector<10000x128xf32>
    %get3A_27 = arith.constant 0 : index
    %get3A_28 = arith.constant 0 : index
    %get3A_29 = vector.load %arg2[%get3A_27, %get3A_28] : memref<10000x1xf32, #tpu.memory_space<vmem>>, vector<10000x1xf32>
    %mul3A_30 = vector.broadcast %get3A_29 : vector<10000x1xf32> to vector<10000x128xf32>
    %mul3A_31 = arith.mulf %dot_general3A_26, %mul3A_30 : vector<10000x128xf32>
    %swap3A = arith.constant 0 : index
    %swap3A_32 = arith.constant 0 : index
    %swap3A_33 = vector.load %arg5[%swap3A, %swap3A_32] : memref<10000x128xf32, #tpu.memory_space<vmem>>, vector<10000x128xf32>
    tpu.vector_store %arg5[%swap3A, %swap3A_32], %mul3A_31 {strides = array<i32>} : memref<10000x128xf32, #tpu.memory_space<vmem>>, vector<10000x128xf32>,
    return
  }
}

module attributes {stable_mosaic.version = 14 : i64} {
  func.func @_tc1_body(%arg0: memref<10000x128xf32, #tpu.memory_space<vmem>>, %arg1: memref<128x128xf32, #tpu.memory_space<vmem>>, %arg2: memref<32x10240xf32, #tpu.memory_space<vmem>>, %arg3: memref<10000x1xf32, #tpu.memory_space<vmem>>, %arg4: memref<10000x128xf32, #tpu.memory_space<vmem>>) attributes {dimension_semantics = [], scalar_prefetch = 0 : i64, scratch_operands = 0 : i64, tpu.core_type = #tpu.core_type<tc>} {
    %get3A = arith.constant 0 : index
    %get3A_0 = arith.constant 0 : index
    %get3A_1 = vector.load %arg2[%get3A, %get3A_0] : memref<32x10240xf32, #tpu.memory_space<vmem>>, vector<32x10240xf32>
    %reduce_sum3A = arith.constant dense<0.000000e+00> : vector<10240xf32>
    %reduce_sum3A_2 = vector.multi_reduction <add>, %get3A_1, %reduce_sum3A [0] : vector<32x10240xf32> to vector<10240xf32>
    %slice3A = vector.extract_strided_slice %reduce_sum3A_2 {offsets = [0], sizes = [10000], strides = [1]} : vector<10240xf32> to vector<10000xf32>
    %add3A = arith.constant 1.000000e+00 : f32
    %add3A_3 = vector.broadcast %add3A : f32 to vector<10000xf32>
    %add3A_4 = arith.addf %slice3A, %add3A_3 : vector<10000xf32>
    %rsqrt3A = math.rsqrt %add3A_4 : vector<10000xf32>
    %broadcast_in_dim3A = vector.shape_cast %rsqrt3A : vector<10000xf32> to vector<10000x1xf32>
    %get3A_5 = arith.constant 0 : index
    %get3A_6 = arith.constant 0 : index
    %get3A_7 = vector.load %arg0[%get3A_5, %get3A_6] : memref<10000x128xf32, #tpu.memory_space<vmem>>, vector<10000x128xf32>
    %get3A_8 = arith.constant 0 : index
    %get3A_9 = arith.constant 0 : index
    %get3A_10 = vector.load %arg1[%get3A_8, %get3A_9] : memref<128x128xf32, #tpu.memory_space<vmem>>, vector<128x128xf32>
    %dot_general3A = arith.constant dense<0.000000e+00> : vector<10000x128xf32>
    %dot_general3A_11 = tpu.matmul %get3A_7, %get3A_10, %dot_general3A {dimension_numbers = #tpu.dot_dimension_numbers<[1], [0], [0], [1], [0, 0, 1, 1], [], []>, transpose_lhs_hint = false} : vector<10000x128xf32>, vector<128x128xf32>, vector<10000x128xf32> -> vector<10000x128xf32>
    %swap3A = arith.constant 0 : index
    %swap3A_12 = arith.constant 0 : index
    %swap3A_13 = vector.load %arg3[%swap3A, %swap3A_12] : memref<10000x1xf32, #tpu.memory_space<vmem>>, vector<10000x1xf32>
    tpu.vector_store %arg3[%swap3A, %swap3A_12], %broadcast_in_dim3A {strides = array<i32>} : memref<10000x1xf32, #tpu.memory_space<vmem>>, vector<10000x1xf32>,
    %mul3A = vector.broadcast %broadcast_in_dim3A : vector<10000x1xf32> to vector<10000x128xf32>
    %mul3A_14 = arith.mulf %dot_general3A_11, %mul3A : vector<10000x128xf32>
    %swap3A_15 = arith.constant 0 : index
    %swap3A_16 = arith.constant 0 : index
    %swap3A_17 = vector.load %arg4[%swap3A_15, %swap3A_16] : memref<10000x128xf32, #tpu.memory_space<vmem>>, vector<10000x128xf32>
    tpu.vector_store %arg4[%swap3A_15, %swap3A_16], %mul3A_14 {strides = array<i32>} : memref<10000x128xf32, #tpu.memory_space<vmem>>, vector<10000x128xf32>,
    return
  }
}

module attributes {stable_mosaic.version = 14 : i64} {
  func.func @_tc3_body(%arg0: memref<2x10240x128xf32, #tpu.memory_space<vmem>>, %arg1: memref<10000x128xf32, #tpu.memory_space<vmem>>, %arg2: memref<10000x1xf32, #tpu.memory_space<vmem>>, %arg3: memref<128xf32, #tpu.memory_space<vmem>>, %arg4: memref<128x5xf32, #tpu.memory_space<vmem>>, %arg5: memref<5xf32, #tpu.memory_space<vmem>>, %arg6: memref<10000x5xf32, #tpu.memory_space<vmem>>) attributes {dimension_semantics = [], scalar_prefetch = 0 : i64, scratch_operands = 0 : i64, tpu.core_type = #tpu.core_type<tc>} {
    %get3A = arith.constant 0 : index
    %get3A_0 = arith.constant 0 : index
    %get3A_1 = arith.constant 0 : index
    %get3A_2 = vector.load %arg0[%get3A, %get3A_0, %get3A_1] : memref<2x10240x128xf32, #tpu.memory_space<vmem>>, vector<1x10000x128xf32>
    %get3A_3 = vector.shape_cast %get3A_2 : vector<1x10000x128xf32> to vector<10000x128xf32>
    %get3A_4 = arith.constant 1 : index
    %get3A_5 = arith.constant 0 : index
    %get3A_6 = arith.constant 0 : index
    %get3A_7 = vector.load %arg0[%get3A_4, %get3A_5, %get3A_6] : memref<2x10240x128xf32, #tpu.memory_space<vmem>>, vector<1x10000x128xf32>
    %get3A_8 = vector.shape_cast %get3A_7 : vector<1x10000x128xf32> to vector<10000x128xf32>
    %add3A = arith.addf %get3A_3, %get3A_8 : vector<10000x128xf32>
    %get3A_9 = arith.constant 0 : index
    %get3A_10 = arith.constant 0 : index
    %get3A_11 = vector.load %arg1[%get3A_9, %get3A_10] : memref<10000x128xf32, #tpu.memory_space<vmem>>, vector<10000x128xf32>
    %add3A_12 = arith.addf %add3A, %get3A_11 : vector<10000x128xf32>
    %get3A_13 = arith.constant 0 : index
    %get3A_14 = arith.constant 0 : index
    %get3A_15 = vector.load %arg2[%get3A_13, %get3A_14] : memref<10000x1xf32, #tpu.memory_space<vmem>>, vector<10000x1xf32>
    %mul3A = vector.broadcast %get3A_15 : vector<10000x1xf32> to vector<10000x128xf32>
    %mul3A_16 = arith.mulf %add3A_12, %mul3A : vector<10000x128xf32>
    %get3A_17 = arith.constant 0 : index
    %get3A_18 = vector.load %arg3[%get3A_17] : memref<128xf32, #tpu.memory_space<vmem>>, vector<128xf32>
    %broadcast_in_dim3A = vector.shape_cast %get3A_18 : vector<128xf32> to vector<1x128xf32>
    %add3A_19 = vector.broadcast %broadcast_in_dim3A : vector<1x128xf32> to vector<10000x128xf32>
    %add3A_20 = arith.addf %mul3A_16, %add3A_19 : vector<10000x128xf32>
    %get3A_21 = arith.constant 0 : index
    %get3A_22 = arith.constant 0 : index
    %get3A_23 = vector.load %arg4[%get3A_21, %get3A_22] : memref<128x5xf32, #tpu.memory_space<vmem>>, vector<128x5xf32>
    %dot_general3A = arith.constant dense<0.000000e+00> : vector<10000x5xf32>
    %dot_general3A_24 = tpu.matmul %add3A_20, %get3A_23, %dot_general3A {dimension_numbers = #tpu.dot_dimension_numbers<[1], [0], [0], [1], [0, 0, 1, 1], [], []>, transpose_lhs_hint = false} : vector<10000x128xf32>, vector<128x5xf32>, vector<10000x5xf32> -> vector<10000x5xf32>
    %get3A_25 = arith.constant 0 : index
    %get3A_26 = vector.load %arg5[%get3A_25] : memref<5xf32, #tpu.memory_space<vmem>>, vector<5xf32>
    %broadcast_in_dim3A_27 = vector.shape_cast %get3A_26 : vector<5xf32> to vector<1x5xf32>
    %add3A_28 = vector.broadcast %broadcast_in_dim3A_27 : vector<1x5xf32> to vector<10000x5xf32>
    %add3A_29 = arith.addf %dot_general3A_24, %add3A_28 : vector<10000x5xf32>
    %reduce_max3A = arith.constant dense<0xFF800000> : vector<10000xf32>
    %reduce_max3A_30 = vector.multi_reduction <maximumf>, %add3A_29, %reduce_max3A [1] : vector<10000x5xf32> to vector<10000xf32>
    %broadcast_in_dim3A_31 = vector.shape_cast %reduce_max3A_30 : vector<10000xf32> to vector<10000x1xf32>
    %sub3A = vector.broadcast %broadcast_in_dim3A_31 : vector<10000x1xf32> to vector<10000x5xf32>
    %sub3A_32 = arith.subf %add3A_29, %sub3A : vector<10000x5xf32>
    %exp3A = math.exp %sub3A_32 : vector<10000x5xf32>
    %reduce_sum3A = arith.constant dense<0.000000e+00> : vector<10000xf32>
    %reduce_sum3A_33 = vector.multi_reduction <add>, %exp3A, %reduce_sum3A [1] : vector<10000x5xf32> to vector<10000xf32>
    %broadcast_in_dim3A_34 = vector.shape_cast %reduce_sum3A_33 : vector<10000xf32> to vector<10000x1xf32>
    %log3A = math.log %broadcast_in_dim3A_34 : vector<10000x1xf32>
    %sub3A_35 = vector.broadcast %broadcast_in_dim3A_31 : vector<10000x1xf32> to vector<10000x5xf32>
    %sub3A_36 = arith.subf %add3A_29, %sub3A_35 : vector<10000x5xf32>
    %sub3A_37 = vector.broadcast %log3A : vector<10000x1xf32> to vector<10000x5xf32>
    %sub3A_38 = arith.subf %sub3A_36, %sub3A_37 : vector<10000x5xf32>
    %swap3A = arith.constant 0 : index
    %swap3A_39 = arith.constant 0 : index
    %swap3A_40 = vector.load %arg6[%swap3A, %swap3A_39] : memref<10000x5xf32, #tpu.memory_space<vmem>>, vector<10000x5xf32>
    tpu.vector_store %arg6[%swap3A, %swap3A_39], %sub3A_38 {strides = array<i32>} : memref<10000x5xf32, #tpu.memory_space<vmem>>, vector<10000x5xf32>,
    return
  }
}

</mosaic_0001>

<sc_bundles>
// kernel: kernel.11.cloned.1.call-start
scs
__scs_entry_jumppad:
0x0: {  	(pc) =	sbr.rel $0x88, $3  }
0x1: {  	(tag) =	ssettag $0x0;
	lr =	simm.s32 $0x1  }
0x2: {  	[smem:$0x3F99] =	sst lr;
	_ =	strace $0xD0000000  }
0x3: {  	_ = 	snop  }
0x4: {  	_ = 	snop  }
0x5: {  	_ = 	snop  }
0x6: {  	_ = 	snop  }
0x7: {  	_ = 	snop  }
__scs_overlays_trampoline_lowered:
0x8: {  	[smem:$0x3FA8] =	sst s0  }
0x9: {  	[smem:$0x3FA9] =	sst s1  }
0xa: {  	[smem:$0x3FAA] =	sst s2  }
0xb: {  	[smem:$0x3FAB] =	sst s3  }
0xc: {  	[smem:$0x3FAC] =	sst s4  }
0xd: {  	[smem:$0x3FAD] =	sst s5  }
0xe: {  	[smem:$0x3FAE] =	sst s6  }
0xf: {  	[smem:$0x3FAF] =	sst s7  }
0x10: {  	[smem:$0x3FB0] =	sst s8  }
0x11: {  	[smem:$0x3FB1] =	sst s9;
	s0 =	simm.s32 @!p0 $0x0  }
0x12: {  	s1 =	sld [smem:$0x3F97];
	s0 =	simm.s32 @p0 $0x1  }
0x13: {  	[smem:$0x3FB2] =	sst s0;
	s0 =	simm.s32 @!p1 $0x0  }
0x14: {  	s2 =	sld [smem:$0x3F96];
	s0 =	simm.s32 @p1 $0x1  }
0x15: {  	[smem:$0x3FB3] =	sst s0;
	s0 =	simm.s32 @!p2 $0x0  }
0x16: {  	s3 =	sld [smem:$0x3FDB];
	s0 =	simm.s32 @p2 $0x1  }
0x17: {  	s4 =	simm.s32 $0x1BF5;
	[smem:$0x3FB5] =	sst s0  }
0x18: {  	s0 =	sld [smem:$0x3F98];
	_ =	swait.ge [sflag:s4], $0x0  }
0x19: {  	s7 =	sld [smem:$0x3F99]  }
0x1a: {  	s8 =	sadd.s32 $0xFFFFE003, lr  }
0x1b: {  	s9 =	sadd.s32 $0xFFFFFEF7, lr;
	s5 =	simm.s32 $0xFFFFFFFF;
	p2 =	slt.u32 s8, $0xFFFFF086  }
0x1c: {  	p1 =	slt.u32 s9, $0xF7A;
	s5 =	simm.s32 @!p2 $0x0  }
0x1d: {  	s5 =	simm.s32 @p1 $0x1;
	p0 =	seq.s32 s7, s2  }
0x1e: {  	s7 =	smul.u32 @!p0 $0xF7A, s2;
	p2 =	seq.s32 @!p0 s5, $0x0  }
0x1f: {  	s9 =	smul.u32 $0xF7A, s1;
	s8 =	simm.s32 @!p0 $0x1BF5;
	p2 =	por !p2, p0  }
0x20: {  	[sflag:s8] =	ssyncset.s32 @!p0 $0xFFFFF086;
	s6 =	sadd.s32 @!p0 s3, s7;
	s7 =	simm.s32 @!p0 $0x108  }
0x21: {  	s3 =	sadd.s32 s3, s9;
	s6 =	sadd.s32 @!p0 $0x88, s6;
	s7 =	simm.s32 @p2 $0x1082  }
0x22: {  	[simem:s7], [sflag:s8] =	dma.local @!p0 [hbm:s6], $0xF7A  }
0x23: {  	s9 =	sor.u32 $0xD0000000, s2;
	s6 =	simm.s32 $0x108;
	_ =	swait.ge @!p0 [sflag:s8], $0x0  }
0x24: {  	s3 =	sadd.s32 $0x88, s3;
	s6 =	simm.s32 @!p1 $0x1082;
	[sflag:s4] =	ssyncset.s32 $0xFFFFF086  }
0x25: {  	[simem:s6], [sflag:s4] =	dma.local [hbm:s3], $0xF7A  }
0x26: {  	[smem:$0x3F99] =	sst s1;
	(tag) =	ssettag s2;
	_ =	strace s9  }
0x27: {  	s1 =	sld [smem:$0x3FA9]  }
0x28: {  	s2 =	sld [smem:$0x3FAA]  }
0x29: {  	s4 =	sld [smem:$0x3FAC]  }
0x2a: {  	p0 =	seq.s32 s5, $0x0;
	s5 =	sld [smem:$0x3FAD]  }
0x2b: {  	s6 =	sld [smem:$0x3FAE]  }
0x2c: {  	s7 =	sld [smem:$0x3FAF]  }
0x2d: {  	s3 =	simm.s32 $0x108;
	s8 =	sld [smem:$0x3FB0]  }
0x2e: {  	s3 =	simm.s32 @!p0 $0x1082;
	s9 =	sld [smem:$0x3FB1]  }
0x2f: {  	lr =	sadd.s32 s0, s3;
	s0 =	sld [smem:$0x3FA8]  }
0x30: {  	s3 =	sld [smem:$0x3FAB]  }
0x31: {  	[smem:$0x3FB4] =	sst s10  }
0x32: {  	s10 =	sld [smem:$0x3FB2];
	_ =	sdelay $0x3  }
0x33: {  	p0 =	seq.s32 s10, $0x1;
	s10 =	sld [smem:$0x3FB4];
	_ =	sdelay $0x3  }
0x34: {  	[smem:$0x3FB4] =	sst s10  }
0x35: {  	s10 =	sld [smem:$0x3FB3];
	_ =	sdelay $0x3  }
0x36: {  	p1 =	seq.s32 s10, $0x1;
	s10 =	sld [smem:$0x3FB4];
	_ =	sdelay $0x3  }
0x37: {  	[smem:$0x3FB4] =	sst s10  }
0x38: {  	s10 =	sld [smem:$0x3FB5]  }
0x39: {  	_ = 	snop;
	(pc) =	sbr.ind lr, $3  }
0x3a: {  	_ = 	snop  }
0x3b: {  	_ = 	snop  }
0x3c: {  	p2 =	seq.s32 s10, $0x1;
	s10 =	sld [smem:$0x3FB4]  }
0x3d: {  	_ =	shalt  }
0x3e: {  	_ =	shalt  }
0x3f: {  	_ =	shalt  }
0x40: {  	_ =	shalt  }
0x41: {  	_ =	shalt  }
0x42: {  	_ =	shalt  }
0x43: {  	_ =	shalt  }
0x44: {  	_ =	shalt  }
0x45: {  	_ =	shalt  }
0x46: {  	_ =	shalt  }
0x47: {  	_ =	shalt  }
0x48: {  	_ =	shalt  }
0x49: {  	_ =	shalt  }
0x4a: {  	_ =	shalt  }
0x4b: {  	_ =	shalt  }
0x4c: {  	_ =	shalt  }
0x4d: {  	_ =	shalt  }
0x4e: {  	_ =	shalt  }
0x4f: {  	_ =	shalt  }
0x50: {  	_ =	shalt  }
0x51: {  	_ =	shalt  }
0x52: {  	_ =	shalt  }
0x53: {  	_ =	shalt  }
0x54: {  	_ =	shalt  }
0x55: {  	_ =	shalt  }
0x56: {  	_ =	shalt  }
0x57: {  	_ =	shalt  }
0x58: {  	_ =	shalt  }
0x59: {  	_ =	shalt  }
0x5a: {  	_ =	shalt  }
0x5b: {  	_ =	shalt  }
0x5c: {  	_ =	shalt  }
0x5d: {  	_ =	shalt  }
0x5e: {  	_ =	shalt  }
0x5f: {  	_ =	shalt  }
0x60: {  	_ =	shalt  }
0x61: {  	_ =	shalt  }
0x62: {  	_ =	shalt  }
0x63: {  	_ =	shalt  }
0x64: {  	_ =	shalt  }
0x65: {  	_ =	shalt  }
0x66: {  	_ =	shalt  }
0x67: {  	_ =	shalt  }
0x68: {  	_ =	shalt  }
0x69: {  	_ =	shalt  }
0x6a: {  	_ =	shalt  }
0x6b: {  	_ =	shalt  }
0x6c: {  	_ =	shalt  }
0x6d: {  	_ =	shalt  }
0x6e: {  	_ =	shalt  }
0x6f: {  	_ =	shalt  }
0x70: {  	_ =	shalt  }
0x71: {  	_ =	shalt  }
0x72: {  	_ =	shalt  }
0x73: {  	_ =	shalt  }
0x74: {  	_ =	shalt  }
0x75: {  	_ =	shalt  }
0x76: {  	_ =	shalt  }
0x77: {  	_ =	shalt  }
0x78: {  	_ =	shalt  }
0x79: {  	_ =	shalt  }
0x7a: {  	_ =	shalt  }
0x7b: {  	_ =	shalt  }
0x7c: {  	_ =	shalt  }
0x7d: {  	_ =	shalt  }
0x7e: {  	_ =	shalt  }
0x7f: {  	_ =	shalt  }
0x80: {  	_ =	shalt  }
0x81: {  	_ =	shalt  }
0x82: {  	_ =	shalt  }
0x83: {  	_ =	shalt  }
0x84: {  	_ =	shalt  }
0x85: {  	_ =	shalt  }
0x86: {  	_ =	shalt  }
0x87: {  	_ =	shalt  }
.Lfunc_end0:
.L_simem_size_0:
called_computation.1_lowered:
.L_overlay_start_0:
0x88: {  	s2 =	sld [smem:$0x3FD9]  }
0x89: {  	s3 =	sld [smem:$0x3FFE];
	_ =	sdelay $0x1  }
0x8a: {  	s1 =	srdreg.scid  }
0x8b: {  	s0 =	sand.u32 $0x1, s1  }
0x8c: {  	s16 =	sshll.u32 s0, $0xA;
	s2 =	sadd.s32 s3, s2  }
0x8d: {  	s2 =	sadd.s32 s2, s16  }
0x8e: {  	[smem:$0x3FC0] =	sst s2  }
0x8f: {  	_ = 	snop  }
0x90: {  	(tm) =	ssettm $0x1  }
0x91: {  	s17 =	sld [smem:$0x3FFB];
	_ =	sdelay $0x3  }
0x92: {  	_ =	strace s17  }
0x93: {  	s2 =	sld [smem:$0x3FFC];
	_ =	sdelay $0x3  }
0x94: {  	_ =	strace s2  }
0x95: {  	s2 =	sld [smem:$0x3FFD];
	_ =	sdelay $0x3  }
0x96: {  	_ =	strace s2  }
0x97: {  	_ =	strace $0x8FFFFFFF  }
0x98: {  	s18 =	sld [smem:$0x3FDB];
	_ =	sdelay $0x1  }
0x99: {  	s19 =	simm.s32 $_scs_section_size  }
0x9a: {  	s4 =	simm.s32 $_size__tile_overlayer_lowered;
	s5 =	simm.s32 $_tile_overlayer_lowered  }
0x9b: {  	s22 =	simm.s32 $0x1BFF;
	s21 =	sshll.u32 s5, $0x1;
	s2 =	sadd.s32 s19, s18  }
0x9c: {  	s6 =	simm.s32 $0x0;
	s20 =	sshll.u32 s4, $0x1;
	s4 =	sadd.s32 s21, s2  }
0x9d: {  	[timem:s6], [sflag:s22] =	dma.local [hbm:s4], s20  }
0x9e: {  	_ =	swait.ge [sflag:s22], s20  }
0x9f: {  	s3 =	ssub.s32 $0x0, s20;
	[sflag:s22] =	ssyncset.done $0x0  }
0xa0: {  	[sflag:s22] =	ssyncadd.s32 s3;
	_ =	sdelay $0x1  }
0xa1: {  	s23 =	simm.s32 $0x1B8B  }
0xa2: {  	_ =	swait.ge [sflag:s23], $0x1  }
0xa3: {  	[sflag:s23] =	ssyncset.done $0x0  }
0xa4: {  	s25 =	simm.s32 $0x1B8E;
	s24 =	sld [smem:$0x3FFE];
	[sflag:s23] =	ssyncadd.s32 $0xFFFFFFFF  }
0xa5: {  	s26 =	simm.s32 $execute0_lowered;
	[smem:$0x3FD2] =	sst s25  }
0xa6: {  	s4 =	sshll.u32 s26, $0x1;
	_ =	strace $0x80000049;
	[dreg:$0x1] =	wrdreg $0xFFFFFFFF  }
0xa7: {  	s28 =	simm.s32 $_size_execute0_lowered;
	s2 =	sadd.s32 s2, s4;
	[dreg:$0x0] =	wrdreg $0x0  }
0xa8: {  	s4 =	sshll.u32 s28, $0x1;
	[dreg:$0x2] =	wrdreg s2  }
0xa9: {  	[dreg:$0x3] =	wrdreg s4  }
0xaa: {  	[dreg:$0x4] =	wrdreg $0xC0  }
0xab: {  	_ =	task [dreg:s6], $0x5FFFF  }
0xac: {  	[dreg:$0x1] =	wrdreg $0xFFFFFFFF  }
0xad: {  	[dreg:$0x0] =	wrdreg $0x60  }
0xae: {  	[dreg:$0x2] =	wrdreg s24  }
0xaf: {  	[dreg:$0x3] =	wrdreg $0x8B000  }
0xb0: {  	[dreg:$0x4] =	wrdreg $0x9  }
0xb1: {  	_ =	task.clear_ibuf [dreg:s6], $0x5FFFF;
	_ =	strace $0x90000049  }
0xb2: {  	s29 =	simm.s32 $0x9;
	_ =	strace $0x8000004B  }
0xb3: {  	_ =	swait.ge [sflag:s29], $0x1  }
0xb4: {  	[sflag:s29] =	ssyncadd.s32 $0xFFFFFFFF  }
0xb5: {  	_ =	strace $0x9000004B  }
0xb6: {  	_ =	sfence  }
0xb7: {  	s30 =	sld [smem:$0x0];
	_ =	sdelay $0x2  }
0xb8: {  	s31 =	sshll.u32 s1, $0xD;
	s1 =	sshrl.u32 s1, $0x2  }
0xb9: {  	s3 =	sand.u32 $0x4000, s31;
	s1 =	sadd.s32 s1, s30  }
0xba: {  	s0 =	sor.u32 s3, s0;
	s1 =	sshll.u32 s1, $0x11  }
0xbb: {  	s0 =	sor.u32 s1, s0  }
0xbc: {  	s0 =	sadd.s32 $0x8F2B, s0  }
0xbd: {  	[sflag:s0] =	ssyncadd.remote.s32 $0x1  }
0xbe: {  	_ =	sfence.sel $0xFFFF  }
0xbf: {  	[dreg:$0x0] =	wrdreg $0xFFFFFFFF;
	(pc) =	sbr.abs _section_cstart, $3  }
0xc0: {  	[dreg:$0x1] =	wrdreg $0xFFFFFFFF  }
0xc1: {  	_ =	task.clear_ibuf [dreg:s6], $0x2FFFF;
	_ =	strace $0x9FFFFFFF  }
0xc2: {  	(tm) =	ssettm $0x7FFFFFFF  }
0xc3: {  	_ =	shalt  }
tec
execute0_lowered:
.L_overlay_start_1:
0x0: {  	(tag) =	ssettag $0x1  }
0x1: {  	s0 =	rddreg [dreg:$0x0]  }
0x2: {  	s2 =	rddreg [dreg:$0x1];
	s3 =	simm.s32 $0x0;
	s12 =	stileid.u32  }
0x3: {  	s1 =	srdreg.scid;
	s28 =	simm.s32 $0x2;
	s29 =	simm.s32 $0x8200  }
0x4: {  	s30 =	simm.s32 $0x8280;
	s31 =	simm.s32 $0x10;
	s7 =	smul.u32 $0x14000, s12  }
0x5: {  	[smem:$0x7FF] =	sst s3;
	s1 =	sand.u32 $0x1, s1;
	s11 =	smul.u32 $0x50000, s12  }
0x6: {  	s4 =	sadd.s32 $0x16000, s0;
	s5 =	sadd.s32 $0x2400, s0;
	s20 =	smul.u32 $0x4E20, s12  }
0x7: {  	s9 =	sshll.u32 s12, $0x1;
	s6 =	sadd.s32 $0xC200, s0;
	s8 =	smul.u32 $0x140000, s1  }
0x8: {  	s9 =	sor.u32 s1, s9;
	s18 =	ssub.s32 $0x2, s1;
	s1 =	smul.u32 $0x2710, s1  }
0x9: {  	_ =	strace $0x8000004A;
	s9 =	smul.u32 $0x2710, s9;
	s10 =	sshrl.u32 s18, $0x1  }
0xa: {  	s11 =	sshrl.u32 s11, $0x2;
	s8 =	sadd.s32 s7, s8;
	s7 =	sshrl.u32 s7, $0x3  }
0xb: {  	s11 =	sadd.s32 s11, s2;
	s1 =	sadd.s32 s1, s20;
	s20 =	simm.s32 $0x4  }
0xc: {  	s8 =	sshrl.u32 s8, $0x3;
	s7 =	sadd.s32 s7, s0;
	s9 =	sshrl.u32 s9, $0x3  }
0xd: {  	[dreg:$0x5] =	wrdreg s11;
	s25 =	sadd.s32 $0x80, s1;
	s17 =	sadd.s32 $0x100, s1  }
0xe: {  	s1 =	simm.s32 $0x3;
	s0 =	sadd.s32 s8, s0;
	s19 =	sadd.s32 s5, s9  }
0xf: {  	s8 =	ssub.s32 s18, s10;
	s21 =	sadd.s32 s6, s9;
	[dreg:$0x3] =	wrdreg s19  }
0x10: {  	s7 =	sadd.s32 $0x3D200, s7;
	s22 =	sadd.s32 $0x4E0, s9;
	[dreg:$0x4] =	wrdreg s21  }
0x11: {  	s24 =	sadd.s32 $0x4D0, s9;
	[dreg:$0x6] =	wrdreg s7;
	s23 =	sadd.s32 s5, s22  }
0x12: {  	s7 =	sadd.s32 s6, s22;
	s0 =	sadd.s32 $0x65200, s0;
	[dreg:$0x7] =	wrdreg s23  }
0x13: {  	s8 =	smax.u32 s8, $0x1;
	s26 =	sadd.s32 s5, s24;
	[dreg:$0x8] =	wrdreg s7  }
0x14: {  	s16 =	sadd.s32 s6, s24;
	s21 =	simm.s32 $0x80;
	[dreg:$0x9] =	wrdreg s0  }
0x15: {  	s22 =	simm.s32 $0x100;
	s24 =	simm.s32 $0x4200;
	[dreg:$0xa] =	wrdreg s8  }
0x16: {  	[dreg:$0xb] =	wrdreg s26;
	s7 =	sshrl.u32 s25, $0x3;
	s23 =	simm.s32 $0x4100  }
0x17: {  	s25 =	simm.s32 $0x4180;
	s26 =	simm.s32 $0x1;
	s0 =	simm.s32 $0x8300  }
0x18: {  	s18 =	sadd.s32 s7, s6;
	s19 =	sadd.s32 s7, s5;
	s7 =	simm.s32 $0x0  }
.LBB2_1:
0x19: {  	s8 =	rddreg [dreg:$0x3]  }
0x1a: {  	[tilespmem:s3], [sflag:$0x4] =	stream.linear.gather [hbm4b:s8+s3], $0x80, $0x38;
	[tilespmem:$0x1CB00] =	vst v63  }
0x1b: {  	_ =	swait.ge [sflag:s20], $0x80  }
0x1c: {  	[sflag:s20] =	ssyncset.done $0x0  }
0x1d: {  	[sflag:s20] =	ssyncadd.s32 $0xFFFFFF80  }
0x1e: {  	[tilespmem:s22], [sflag:$0x1] =	stream.indirect.gather [hbm4b:s4+s21], $0x80, s3, s21, $0xb8;
	[tilespmem:$0x1CB00] =	vst v63  }
0x1f: {  	s12 =	stileid.u32;
	s11 =	rddreg [dreg:$0x4]  }
0x20: {  	[tilespmem:s21], [sflag:$0x4] =	stream.linear.gather [hbm4b:s11+s3], $0x80, $0x38;
	[tilespmem:$0x1CB00] =	vst v63  }
0x21: {  	s8 =	sshll.u32 s12, $0x6;
	_ =	swait.ge [sflag:s20], $0x80  }
0x22: {  	s8 =	sor.u32 $0x1C04, s8;
	[sflag:s20] =	ssyncset.done $0x0;
	s9 =	rddreg [dreg:$0x5]  }
0x23: {  	s10 =	rddreg [dreg:$0x6];
	[sflag:s20] =	ssyncadd.s32 $0xFFFFFF80;
	s9 =	sshrl.u32 s9, $0x3  }
0x24: {  	[spmem:s9], [sflag:s8] =	dma.local [hbm:s10], $0x2800  }
0x25: {  	_ =	swait.ge [sflag:s20], $0x2800  }
0x26: {  	[sflag:s20] =	ssyncset.done $0x0  }
0x27: {  	[sflag:s20] =	ssyncadd.s32 $0xFFFFD800  }
0x28: {  	s13 =	sadd.s32 $0x0, s19;
	[bflag:$0x0] =	sbarrier.arrive $0xFFFF  }
0x29: {  	[tilespmem:s23], [sflag:$0x4] =	stream.linear.gather [hbm4b:s13+s3], $0x80, $0x38;
	[tilespmem:$0x1CB00] =	vst v63  }
0x2a: {  	_ =	swait.ge [sflag:s20], $0x80  }
0x2b: {  	[sflag:s20] =	ssyncset.done $0x0  }
0x2c: {  	[sflag:s20] =	ssyncadd.s32 $0xFFFFFF80  }
0x2d: {  	[tilespmem:s24], [sflag:$0x2] =	stream.indirect.gather [hbm4b:s4+s21], $0x80, s23, s21, $0xb8;
	[tilespmem:$0x1CB00] =	vst v63  }
0x2e: {  	s14 =	sadd.s32 $0x0, s18  }
0x2f: {  	[tilespmem:s25], [sflag:$0x4] =	stream.linear.gather [hbm4b:s14+s3], $0x80, $0x38;
	[tilespmem:$0x1CB00] =	vst v63  }
0x30: {  	_ =	swait.ge [sflag:s20], $0x80  }
0x31: {  	[sflag:s20] =	ssyncset.done $0x0  }
0x32: {  	[sflag:s20] =	ssyncadd.s32 $0xFFFFFF80  }
0x33: {  	_ =	swait.ge [sflag:s26], $0x4000  }
0x34: {  	[sflag:s26] =	ssyncset.done $0x0  }
0x35: {  	[sflag:s26] =	ssyncadd.s32 $0xFFFFC000  }
0x36: {  	[spmem:s2] =	stream.indirect.scatter.add.f32 [tilespmem:s22], [sflag:$0x4], $0x80, s21, s21, $0xb8;
	[tilespmem:$0x1CB00] =	vst v63  }
0x37: {  	_ =	swait.ge [sflag:s20], $0x4000  }
0x38: {  	s15 =	sshrl.u32 s17, $0x3;
	[sflag:s20] =	ssyncset.done $0x0  }
0x39: {  	s11 =	sadd.s32 s5, s15;
	[sflag:s20] =	ssyncadd.s32 $0xFFFFC000  }
0x3a: {  	[tilespmem:s3], [sflag:$0x4] =	stream.linear.gather [hbm4b:s11+s3], $0x80, $0x38;
	[tilespmem:$0x1CB00] =	vst v63  }
0x3b: {  	_ =	swait.ge [sflag:s20], $0x80  }
0x3c: {  	[sflag:s20] =	ssyncset.done $0x0  }
0x3d: {  	[sflag:s20] =	ssyncadd.s32 $0xFFFFFF80  }
0x3e: {  	[tilespmem:s22], [sflag:$0x1] =	stream.indirect.gather [hbm4b:s4+s21], $0x80, s3, s21, $0xb8;
	[tilespmem:$0x1CB00] =	vst v63  }
0x3f: {  	s10 =	sadd.s32 s6, s15  }
0x40: {  	[tilespmem:s21], [sflag:$0x4] =	stream.linear.gather [hbm4b:s10+s3], $0x80, $0x38;
	[tilespmem:$0x1CB00] =	vst v63  }
0x41: {  	_ =	swait.ge [sflag:s20], $0x80  }
0x42: {  	[sflag:s20] =	ssyncset.done $0x0  }
0x43: {  	[sflag:s20] =	ssyncadd.s32 $0xFFFFFF80  }
0x44: {  	_ =	swait.ge [sflag:s28], $0x4000  }
0x45: {  	[sflag:s28] =	ssyncset.done $0x0  }
0x46: {  	[sflag:s28] =	ssyncadd.s32 $0xFFFFC000  }
0x47: {  	[spmem:s2] =	stream.indirect.scatter.add.f32 [tilespmem:s24], [sflag:$0x4], $0x80, s25, s21, $0xb8;
	[tilespmem:$0x1CB00] =	vst v63  }
0x48: {  	s12 =	simm.s32 $0x40;
	_ =	swait.ge [sflag:s20], $0x4000  }
0x49: {  	s11 =	simm.s32 $0x20;
	s10 =	sadd.s32 $0x100, s17;
	[sflag:s20] =	ssyncset.done $0x0  }
.LBB2_2:
0x4a: {  	s14 =	sadd.s32 s11, s19  }
0x4b: {  	[sflag:s20] =	ssyncadd.s32 $0xFFFFC000;
	s15 =	smov.u32 s12;
	s13 =	sadd.s32 $0x20, s12  }
0x4c: {  	[tilespmem:s23], [sflag:$0x4] =	stream.linear.gather [hbm4b:s14+s3], $0x80, $0x38;
	[tilespmem:$0x1CB00] =	vst v63  }
0x4d: {  	p0 =	sne.s32 s12, $0x4A0;
	_ =	swait.ge [sflag:s20], $0x80  }
0x4e: {  	[sflag:s20] =	ssyncset.done $0x0  }
0x4f: {  	[sflag:s20] =	ssyncadd.s32 $0xFFFFFF80  }
0x50: {  	[tilespmem:s24], [sflag:$0x2] =	stream.indirect.gather [hbm4b:s4+s21], $0x80, s23, s21, $0xb8;
	[tilespmem:$0x1CB00] =	vst v63  }
0x51: {  	s12 =	sadd.s32 s11, s18;
	s11 =	smov.u32 s15  }
0x52: {  	[tilespmem:s25], [sflag:$0x4] =	stream.linear.gather [hbm4b:s12+s3], $0x80, $0x38;
	[tilespmem:$0x1CB00] =	vst v63  }
0x53: {  	_ =	swait.ge [sflag:s20], $0x80  }
0x54: {  	[sflag:s20] =	ssyncset.done $0x0  }
0x55: {  	[sflag:s20] =	ssyncadd.s32 $0xFFFFFF80  }
0x56: {  	_ =	swait.ge [sflag:s26], $0x4000  }
0x57: {  	[sflag:s26] =	ssyncset.done $0x0  }
0x58: {  	[sflag:s26] =	ssyncadd.s32 $0xFFFFC000  }
0x59: {  	[spmem:s2] =	stream.indirect.scatter.add.f32 [tilespmem:s22], [sflag:$0x4], $0x80, s21, s21, $0xb8;
	[tilespmem:$0x1CB00] =	vst v63  }
0x5a: {  	_ =	swait.ge [sflag:s20], $0x4000  }
0x5b: {  	s12 =	sshrl.u32 s10, $0x3;
	[sflag:s20] =	ssyncset.done $0x0  }
0x5c: {  	s14 =	sadd.s32 s5, s12;
	[sflag:s20] =	ssyncadd.s32 $0xFFFFC000  }
0x5d: {  	[tilespmem:s3], [sflag:$0x4] =	stream.linear.gather [hbm4b:s14+s3], $0x80, $0x38;
	[tilespmem:$0x1CB00] =	vst v63  }
0x5e: {  	_ =	swait.ge [sflag:s20], $0x80  }
0x5f: {  	[sflag:s20] =	ssyncset.done $0x0  }
0x60: {  	[sflag:s20] =	ssyncadd.s32 $0xFFFFFF80  }
0x61: {  	[tilespmem:s22], [sflag:$0x1] =	stream.indirect.gather [hbm4b:s4+s21], $0x80, s3, s21, $0xb8;
	[tilespmem:$0x1CB00] =	vst v63  }
0x62: {  	s12 =	sadd.s32 s6, s12  }
0x63: {  	[tilespmem:s21], [sflag:$0x4] =	stream.linear.gather [hbm4b:s12+s3], $0x80, $0x38;
	[tilespmem:$0x1CB00] =	vst v63  }
0x64: {  	_ =	swait.ge [sflag:s20], $0x80  }
0x65: {  	[sflag:s20] =	ssyncset.done $0x0  }
0x66: {  	[sflag:s20] =	ssyncadd.s32 $0xFFFFFF80  }
0x67: {  	_ =	swait.ge [sflag:s28], $0x4000  }
.Ltmp0:
0x68: {  	[sflag:s28] =	ssyncset.done $0x0;
	(pc) =	sbr.rel @p0 .LBB2_2-.Ltmp0, $4  }
0x69: {  	[sflag:s28] =	ssyncadd.s32 $0xFFFFC000  }
0x6a: {  	[spmem:s2] =	stream.indirect.scatter.add.f32 [tilespmem:s24], [sflag:$0x4], $0x80, s25, s21, $0xb8;
	[tilespmem:$0x1CB00] =	vst v63  }
0x6b: {  	_ =	swait.ge [sflag:s20], $0x4000  }
0x6c: {  	s10 =	sadd.s32 $0x100, s10;
	s12 =	smov.u32 s13;
	[sflag:s20] =	ssyncset.done $0x0  }
0x6d: {  	s12 =	sadd.s32 s11, s19;
	[sflag:s20] =	ssyncadd.s32 $0xFFFFC000  }
0x6e: {  	[tilespmem:s23], [sflag:$0x4] =	stream.linear.gather [hbm4b:s12+s3], $0x80, $0x38;
	[tilespmem:$0x1CB00] =	vst v63  }
0x6f: {  	_ =	swait.ge [sflag:s20], $0x80  }
0x70: {  	[sflag:s20] =	ssyncset.done $0x0  }
0x71: {  	[sflag:s20] =	ssyncadd.s32 $0xFFFFFF80  }
0x72: {  	[tilespmem:s24], [sflag:$0x2] =	stream.indirect.gather [hbm4b:s4+s21], $0x80, s23, s21, $0xb8;
	[tilespmem:$0x1CB00] =	vst v63  }
0x73: {  	s14 =	sadd.s32 s11, s18  }
0x74: {  	[tilespmem:s25], [sflag:$0x4] =	stream.linear.gather [hbm4b:s14+s3], $0x80, $0x38;
	[tilespmem:$0x1CB00] =	vst v63  }
0x75: {  	_ =	swait.ge [sflag:s20], $0x80  }
0x76: {  	[sflag:s20] =	ssyncset.done $0x0  }
0x77: {  	[sflag:s20] =	ssyncadd.s32 $0xFFFFFF80  }
0x78: {  	_ =	swait.ge [sflag:s26], $0x4000  }
0x79: {  	[sflag:s26] =	ssyncset.done $0x0  }
0x7a: {  	[sflag:s26] =	ssyncadd.s32 $0xFFFFC000  }
0x7b: {  	[spmem:s2] =	stream.indirect.scatter.add.f32 [tilespmem:s22], [sflag:$0x4], $0x80, s21, s21, $0xb8;
	[tilespmem:$0x1CB00] =	vst v63  }
0x7c: {  	_ =	swait.ge [sflag:s20], $0x4000  }
0x7d: {  	s10 =	sshrl.u32 s10, $0x3;
	[sflag:s20] =	ssyncset.done $0x0  }
0x7e: {  	s15 =	sadd.s32 s5, s10;
	[sflag:s20] =	ssyncadd.s32 $0xFFFFC000  }
0x7f: {  	[tilespmem:s3], [sflag:$0x4] =	stream.linear.gather [hbm4b:s15+s3], $0x80, $0x38;
	[tilespmem:$0x1CB00] =	vst v63  }
0x80: {  	_ =	swait.ge [sflag:s20], $0x80  }
0x81: {  	[sflag:s20] =	ssyncset.done $0x0  }
0x82: {  	[sflag:s20] =	ssyncadd.s32 $0xFFFFFF80  }
0x83: {  	[tilespmem:s22], [sflag:$0x1] =	stream.indirect.gather [hbm4b:s4+s21], $0x80, s3, s21, $0xb8;
	[tilespmem:$0x1CB00] =	vst v63  }
0x84: {  	s10 =	sadd.s32 s6, s10  }
0x85: {  	[tilespmem:s21], [sflag:$0x4] =	stream.linear.gather [hbm4b:s10+s3], $0x80, $0x38;
	[tilespmem:$0x1CB00] =	vst v63  }
0x86: {  	_ =	swait.ge [sflag:s20], $0x80  }
0x87: {  	[sflag:s20] =	ssyncset.done $0x0  }
0x88: {  	[sflag:s20] =	ssyncadd.s32 $0xFFFFFF80  }
0x89: {  	_ =	swait.ge [sflag:s28], $0x4000  }
0x8a: {  	[sflag:s28] =	ssyncset.done $0x0  }
0x8b: {  	[sflag:s28] =	ssyncadd.s32 $0xFFFFC000  }
0x8c: {  	[spmem:s2] =	stream.indirect.scatter.add.f32 [tilespmem:s24], [sflag:$0x4], $0x80, s25, s21, $0xb8;
	[tilespmem:$0x1CB00] =	vst v63  }
0x8d: {  	_ =	swait.ge [sflag:s20], $0x4000  }
0x8e: {  	[sflag:s20] =	ssyncset.done $0x0  }
0x8f: {  	s11 =	rddreg [dreg:$0xb];
	[sflag:s20] =	ssyncadd.s32 $0xFFFFC000  }
0x90: {  	[tilespmem:s23], [sflag:$0x4] =	stream.linear.gather [hbm4b:s11+s3], $0x80, $0x38;
	[tilespmem:$0x1CB00] =	vst v63  }
0x91: {  	_ =	swait.ge [sflag:s20], $0x80  }
0x92: {  	[sflag:s20] =	ssyncset.done $0x0  }
0x93: {  	[sflag:s20] =	ssyncadd.s32 $0xFFFFFF80  }
0x94: {  	[tilespmem:s24], [sflag:$0x2] =	stream.indirect.gather [hbm4b:s4+s21], $0x80, s23, s21, $0xb8;
	[tilespmem:$0x1CB00] =	vst v63  }
0x95: {  	_ = 	snop  }
0x96: {  	[tilespmem:s25], [sflag:$0x4] =	stream.linear.gather [hbm4b:s16+s3], $0x80, $0x38;
	[tilespmem:$0x1CB00] =	vst v63  }
0x97: {  	_ =	swait.ge [sflag:s20], $0x80  }
0x98: {  	[sflag:s20] =	ssyncset.done $0x0  }
0x99: {  	[sflag:s20] =	ssyncadd.s32 $0xFFFFFF80  }
0x9a: {  	_ =	swait.ge [sflag:s26], $0x4000  }
0x9b: {  	[sflag:s26] =	ssyncset.done $0x0  }
0x9c: {  	[sflag:s26] =	ssyncadd.s32 $0xFFFFC000  }
0x9d: {  	[spmem:s2] =	stream.indirect.scatter.add.f32 [tilespmem:s22], [sflag:$0x4], $0x80, s21, s21, $0xb8;
	[tilespmem:$0x1CB00] =	vst v63  }
0x9e: {  	_ =	swait.ge [sflag:s20], $0x4000  }
0x9f: {  	[sflag:s20] =	ssyncset.done $0x0  }
0xa0: {  	[sflag:s20] =	ssyncadd.s32 $0xFFFFC000  }
0xa1: {  	_ =	swait.ge [sflag:s28], $0x4000  }
0xa2: {  	[sflag:s28] =	ssyncset.done $0x0  }
0xa3: {  	[sflag:s28] =	ssyncadd.s32 $0xFFFFC000  }
0xa4: {  	[spmem:s2] =	stream.indirect.scatter.add.f32 [tilespmem:s24], [sflag:$0x4], $0x80, s25, s21, $0xb8;
	[tilespmem:$0x1CB00] =	vst v63  }
0xa5: {  	_ =	swait.ge [sflag:s20], $0x4000  }
0xa6: {  	[sflag:s20] =	ssyncset.done $0x0  }
0xa7: {  	s12 =	rddreg [dreg:$0x7];
	[sflag:s20] =	ssyncadd.s32 $0xFFFFC000  }
0xa8: {  	[tilespmem:s29], [sflag:$0x4] =	stream.linear.gather [hbm4b:s12+s3], $0x10, $0x38;
	[tilespmem:$0x1CB00] =	vst v63  }
0xa9: {  	_ =	swait.ge [sflag:s20], $0x10  }
0xaa: {  	[sflag:s20] =	ssyncset.done $0x0  }
0xab: {  	s13 =	rddreg [dreg:$0x8];
	[sflag:s20] =	ssyncadd.s32 $0xFFFFFFF0  }
0xac: {  	[tilespmem:s30], [sflag:$0x4] =	stream.linear.gather [hbm4b:s13+s3], $0x10, $0x38;
	[tilespmem:$0x1CB00] =	vst v63  }
0xad: {  	_ =	swait.ge [sflag:s20], $0x10  }
0xae: {  	[sflag:s20] =	ssyncset.done $0x0  }
0xaf: {  	[sflag:s20] =	ssyncadd.s32 $0xFFFFFFF0  }
0xb0: {  	[tilespmem:s0], [sflag:$0x3] =	stream.indirect.gather [hbm4b:s4+s31], $0x80, s29, s31, $0xb8;
	[tilespmem:$0x1CB00] =	vst v63  }
0xb1: {  	_ =	swait.ge [sflag:s1], $0x800  }
0xb2: {  	[sflag:s1] =	ssyncset.done $0x0  }
0xb3: {  	[sflag:s1] =	ssyncadd.s32 $0xFFFFF800  }
0xb4: {  	[spmem:s2] =	stream.indirect.scatter.add.f32 [tilespmem:s0], [sflag:$0x4], $0x80, s30, s31, $0xb8;
	[tilespmem:$0x1CB00] =	vst v63  }
0xb5: {  	_ =	swait.ge [sflag:s20], $0x800  }
0xb6: {  	[sflag:s20] =	ssyncset.done $0x0  }
0xb7: {  	[sflag:s20] =	ssyncadd.s32 $0xFFFFF800  }
0xb8: {  	[bflag:$0x0] =	sbarrier.arrive $0xFFFF  }
0xb9: {  	s14 =	rddreg [dreg:$0x9]  }
0xba: {  	[hbm:s14], [sflag:s8] =	dma.local [spmem:s9], $0x2800  }
0xbb: {  	_ =	swait.ge [sflag:s20], $0x2800  }
0xbc: {  	s7 =	sadd.s32 $0x1, s7;
	s15 =	rddreg [dreg:$0xa]  }
0xbd: {  	p0 =	sne.s32 s7, s15  }
.Ltmp1:
0xbe: {  	_ = 	snop;
	(pc) =	sbr.rel @p0 .LBB2_1-.Ltmp1, $3  }
0xbf: {  	_ =	sdelay $0x1  }
0xc0: {  	[sflag:s20] =	ssyncset.done $0x0  }
0xc1: {  	[sflag:s20] =	ssyncadd.s32 $0xFFFFD800  }
0xc2: {  	_ =	sfence.sel $0x180000  }
0xc3: {  	[bflag:$0x0] =	sbarrier.arrive $0xFFFF  }
0xc4: {  	_ =	strace $0x9000004A  }
0xc5: {  	s0 =	stileid.u32;
	[bflag:$0x2] =	sbarrier.arrive $0xFFFF  }
0xc6: {  	p0 =	sne.s32 s0, $0x0;
	s0 =	rddreg [dreg:$0x2]  }
0xc7: {  	s0 =	sadd.s32 @!p0 $0x100000, s0  }
0xc8: {  	[sflag:s0] =	ssyncadd.tile.s32 @!p0 $0x1;
	_ =	shalt  }
.Lfunc_end2:
_tile_overlayer_lowered:
.L_overlay_start_2:
0xc9: {  	(tag) =	ssettag $0x2  }
0xca: {  	s0 =	rddreg [dreg:$0x0];
	s2 =	stileid.u32  }
0xcb: {  	s1 =	rddreg [dreg:$0x1];
	p0 =	sne.s32 s2, $0x0  }
0xcc: {  	s3 =	rddreg [dreg:$0x2];
	[bflag:$0x3] =	sbarrier.arrive $0xFFFF;
	s2 =	simm.s32 @!p0 $0x1C04  }
0xcd: {  	[timem:s3], [sflag:s2] =	dma.local @!p0 [hbm:s0], s1  }
0xce: {  	s0 =	simm.s32 @!p0 $0x4  }
0xcf: {  	_ =	swait.ge @!p0 [sflag:s0], s1  }
0xd0: {  	s1 =	ssub.s32 @!p0 $0x0, s1;
	[sflag:s0] =	ssyncset.done @!p0 $0x0  }
0xd1: {  	[sflag:s0] =	ssyncadd.s32 @!p0 s1  }
0xd2: {  	[bflag:$0x3] =	sbarrier.arrive $0xFFFF  }
0xd3: {  	_ =	shalt  }

// kernel: kernel.14.cloned.1.call-start
scs
__scs_entry_jumppad:
0x0: {  	(pc) =	sbr.rel $0x88, $3  }
0x1: {  	(tag) =	ssettag $0x0;
	lr =	simm.s32 $0x1  }
0x2: {  	[smem:$0x3F99] =	sst lr;
	_ =	strace $0xD0000000  }
0x3: {  	_ = 	snop  }
0x4: {  	_ = 	snop  }
0x5: {  	_ = 	snop  }
0x6: {  	_ = 	snop  }
0x7: {  	_ = 	snop  }
__scs_overlays_trampoline_lowered:
0x8: {  	[smem:$0x3FA8] =	sst s0  }
0x9: {  	[smem:$0x3FA9] =	sst s1  }
0xa: {  	[smem:$0x3FAA] =	sst s2  }
0xb: {  	[smem:$0x3FAB] =	sst s3  }
0xc: {  	[smem:$0x3FAC] =	sst s4  }
0xd: {  	[smem:$0x3FAD] =	sst s5  }
0xe: {  	[smem:$0x3FAE] =	sst s6  }
0xf: {  	[smem:$0x3FAF] =	sst s7  }
0x10: {  	[smem:$0x3FB0] =	sst s8  }
0x11: {  	[smem:$0x3FB1] =	sst s9;
	s0 =	simm.s32 @!p0 $0x0  }
0x12: {  	s1 =	sld [smem:$0x3F97];
	s0 =	simm.s32 @p0 $0x1  }
0x13: {  	[smem:$0x3FB2] =	sst s0;
	s0 =	simm.s32 @!p1 $0x0  }
0x14: {  	s2 =	sld [smem:$0x3F96];
	s0 =	simm.s32 @p1 $0x1  }
0x15: {  	[smem:$0x3FB3] =	sst s0;
	s0 =	simm.s32 @!p2 $0x0  }
0x16: {  	s3 =	sld [smem:$0x3FDB];
	s0 =	simm.s32 @p2 $0x1  }
0x17: {  	s4 =	simm.s32 $0x1BF5;
	[smem:$0x3FB5] =	sst s0  }
0x18: {  	s0 =	sld [smem:$0x3F98];
	_ =	swait.ge [sflag:s4], $0x0  }
0x19: {  	s7 =	sld [smem:$0x3F99]  }
0x1a: {  	s8 =	sadd.s32 $0xFFFFE003, lr  }
0x1b: {  	s9 =	sadd.s32 $0xFFFFFEF7, lr;
	s5 =	simm.s32 $0xFFFFFFFF;
	p2 =	slt.u32 s8, $0xFFFFF086  }
0x1c: {  	p1 =	slt.u32 s9, $0xF7A;
	s5 =	simm.s32 @!p2 $0x0  }
0x1d: {  	s5 =	simm.s32 @p1 $0x1;
	p0 =	seq.s32 s7, s2  }
0x1e: {  	s7 =	smul.u32 @!p0 $0xF7A, s2;
	p2 =	seq.s32 @!p0 s5, $0x0  }
0x1f: {  	s9 =	smul.u32 $0xF7A, s1;
	s8 =	simm.s32 @!p0 $0x1BF5;
	p2 =	por !p2, p0  }
0x20: {  	[sflag:s8] =	ssyncset.s32 @!p0 $0xFFFFF086;
	s6 =	sadd.s32 @!p0 s3, s7;
	s7 =	simm.s32 @!p0 $0x108  }
0x21: {  	s3 =	sadd.s32 s3, s9;
	s6 =	sadd.s32 @!p0 $0x88, s6;
	s7 =	simm.s32 @p2 $0x1082  }
0x22: {  	[simem:s7], [sflag:s8] =	dma.local @!p0 [hbm:s6], $0xF7A  }
0x23: {  	s9 =	sor.u32 $0xD0000000, s2;
	s6 =	simm.s32 $0x108;
	_ =	swait.ge @!p0 [sflag:s8], $0x0  }
0x24: {  	s3 =	sadd.s32 $0x88, s3;
	s6 =	simm.s32 @!p1 $0x1082;
	[sflag:s4] =	ssyncset.s32 $0xFFFFF086  }
0x25: {  	[simem:s6], [sflag:s4] =	dma.local [hbm:s3], $0xF7A  }
0x26: {  	[smem:$0x3F99] =	sst s1;
	(tag) =	ssettag s2;
	_ =	strace s9  }
0x27: {  	s1 =	sld [smem:$0x3FA9]  }
0x28: {  	s2 =	sld [smem:$0x3FAA]  }
0x29: {  	s4 =	sld [smem:$0x3FAC]  }
0x2a: {  	p0 =	seq.s32 s5, $0x0;
	s5 =	sld [smem:$0x3FAD]  }
0x2b: {  	s6 =	sld [smem:$0x3FAE]  }
0x2c: {  	s7 =	sld [smem:$0x3FAF]  }
0x2d: {  	s3 =	simm.s32 $0x108;
	s8 =	sld [smem:$0x3FB0]  }
0x2e: {  	s3 =	simm.s32 @!p0 $0x1082;
	s9 =	sld [smem:$0x3FB1]  }
0x2f: {  	lr =	sadd.s32 s0, s3;
	s0 =	sld [smem:$0x3FA8]  }
0x30: {  	s3 =	sld [smem:$0x3FAB]  }
0x31: {  	[smem:$0x3FB4] =	sst s10  }
0x32: {  	s10 =	sld [smem:$0x3FB2];
	_ =	sdelay $0x3  }
0x33: {  	p0 =	seq.s32 s10, $0x1;
	s10 =	sld [smem:$0x3FB4];
	_ =	sdelay $0x3  }
0x34: {  	[smem:$0x3FB4] =	sst s10  }
0x35: {  	s10 =	sld [smem:$0x3FB3];
	_ =	sdelay $0x3  }
0x36: {  	p1 =	seq.s32 s10, $0x1;
	s10 =	sld [smem:$0x3FB4];
	_ =	sdelay $0x3  }
0x37: {  	[smem:$0x3FB4] =	sst s10  }
0x38: {  	s10 =	sld [smem:$0x3FB5]  }
0x39: {  	_ = 	snop;
	(pc) =	sbr.ind lr, $3  }
0x3a: {  	_ = 	snop  }
0x3b: {  	_ = 	snop  }
0x3c: {  	p2 =	seq.s32 s10, $0x1;
	s10 =	sld [smem:$0x3FB4]  }
0x3d: {  	_ =	shalt  }
0x3e: {  	_ =	shalt  }
0x3f: {  	_ =	shalt  }
0x40: {  	_ =	shalt  }
0x41: {  	_ =	shalt  }
0x42: {  	_ =	shalt  }
0x43: {  	_ =	shalt  }
0x44: {  	_ =	shalt  }
0x45: {  	_ =	shalt  }
0x46: {  	_ =	shalt  }
0x47: {  	_ =	shalt  }
0x48: {  	_ =	shalt  }
0x49: {  	_ =	shalt  }
0x4a: {  	_ =	shalt  }
0x4b: {  	_ =	shalt  }
0x4c: {  	_ =	shalt  }
0x4d: {  	_ =	shalt  }
0x4e: {  	_ =	shalt  }
0x4f: {  	_ =	shalt  }
0x50: {  	_ =	shalt  }
0x51: {  	_ =	shalt  }
0x52: {  	_ =	shalt  }
0x53: {  	_ =	shalt  }
0x54: {  	_ =	shalt  }
0x55: {  	_ =	shalt  }
0x56: {  	_ =	shalt  }
0x57: {  	_ =	shalt  }
0x58: {  	_ =	shalt  }
0x59: {  	_ =	shalt  }
0x5a: {  	_ =	shalt  }
0x5b: {  	_ =	shalt  }
0x5c: {  	_ =	shalt  }
0x5d: {  	_ =	shalt  }
0x5e: {  	_ =	shalt  }
0x5f: {  	_ =	shalt  }
0x60: {  	_ =	shalt  }
0x61: {  	_ =	shalt  }
0x62: {  	_ =	shalt  }
0x63: {  	_ =	shalt  }
0x64: {  	_ =	shalt  }
0x65: {  	_ =	shalt  }
0x66: {  	_ =	shalt  }
0x67: {  	_ =	shalt  }
0x68: {  	_ =	shalt  }
0x69: {  	_ =	shalt  }
0x6a: {  	_ =	shalt  }
0x6b: {  	_ =	shalt  }
0x6c: {  	_ =	shalt  }
0x6d: {  	_ =	shalt  }
0x6e: {  	_ =	shalt  }
0x6f: {  	_ =	shalt  }
0x70: {  	_ =	shalt  }
0x71: {  	_ =	shalt  }
0x72: {  	_ =	shalt  }
0x73: {  	_ =	shalt  }
0x74: {  	_ =	shalt  }
0x75: {  	_ =	shalt  }
0x76: {  	_ =	shalt  }
0x77: {  	_ =	shalt  }
0x78: {  	_ =	shalt  }
0x79: {  	_ =	shalt  }
0x7a: {  	_ =	shalt  }
0x7b: {  	_ =	shalt  }
0x7c: {  	_ =	shalt  }
0x7d: {  	_ =	shalt  }
0x7e: {  	_ =	shalt  }
0x7f: {  	_ =	shalt  }
0x80: {  	_ =	shalt  }
0x81: {  	_ =	shalt  }
0x82: {  	_ =	shalt  }
0x83: {  	_ =	shalt  }
0x84: {  	_ =	shalt  }
0x85: {  	_ =	shalt  }
0x86: {  	_ =	shalt  }
0x87: {  	_ =	shalt  }
.Lfunc_end0:
.L_simem_size_0:
called_computation.2_lowered:
.L_overlay_start_0:
0x88: {  	s2 =	sld [smem:$0x3FD9]  }
0x89: {  	s3 =	sld [smem:$0x3FFE];
	_ =	sdelay $0x1  }
0x8a: {  	s1 =	srdreg.scid  }
0x8b: {  	s0 =	sand.u32 $0x1, s1  }
0x8c: {  	s16 =	sshll.u32 s0, $0xA;
	s2 =	sadd.s32 s3, s2  }
0x8d: {  	s2 =	sadd.s32 s2, s16  }
0x8e: {  	[smem:$0x3FC0] =	sst s2  }
0x8f: {  	_ = 	snop  }
0x90: {  	(tm) =	ssettm $0x1  }
0x91: {  	s17 =	sld [smem:$0x3FFB];
	_ =	sdelay $0x3  }
0x92: {  	_ =	strace s17  }
0x93: {  	s2 =	sld [smem:$0x3FFC];
	_ =	sdelay $0x3  }
0x94: {  	_ =	strace s2  }
0x95: {  	s2 =	sld [smem:$0x3FFD];
	_ =	sdelay $0x3  }
0x96: {  	_ =	strace s2  }
0x97: {  	_ =	strace $0x8FFFFFFF  }
0x98: {  	s18 =	sld [smem:$0x3FDB];
	_ =	sdelay $0x1  }
0x99: {  	s19 =	simm.s32 $_scs_section_size  }
0x9a: {  	s4 =	simm.s32 $_size__tile_overlayer_lowered;
	s5 =	simm.s32 $_tile_overlayer_lowered  }
0x9b: {  	s22 =	simm.s32 $0x1BFF;
	s21 =	sshll.u32 s5, $0x1;
	s2 =	sadd.s32 s19, s18  }
0x9c: {  	s6 =	simm.s32 $0x0;
	s20 =	sshll.u32 s4, $0x1;
	s4 =	sadd.s32 s21, s2  }
0x9d: {  	[timem:s6], [sflag:s22] =	dma.local [hbm:s4], s20  }
0x9e: {  	_ =	swait.ge [sflag:s22], s20  }
0x9f: {  	s3 =	ssub.s32 $0x0, s20;
	[sflag:s22] =	ssyncset.done $0x0  }
0xa0: {  	[sflag:s22] =	ssyncadd.s32 s3;
	_ =	sdelay $0x1  }
0xa1: {  	s23 =	simm.s32 $0x1B8B  }
0xa2: {  	_ =	swait.ge [sflag:s23], $0x1  }
0xa3: {  	[sflag:s23] =	ssyncset.done $0x0  }
0xa4: {  	s25 =	simm.s32 $0x1B8E;
	s24 =	sld [smem:$0x3FFE];
	[sflag:s23] =	ssyncadd.s32 $0xFFFFFFFF  }
0xa5: {  	s26 =	simm.s32 $execute0_lowered;
	[smem:$0x3FD2] =	sst s25  }
0xa6: {  	s4 =	sshll.u32 s26, $0x1;
	_ =	strace $0x8000004C;
	[dreg:$0x1] =	wrdreg $0xFFFFFFFF  }
0xa7: {  	s28 =	simm.s32 $_size_execute0_lowered;
	s2 =	sadd.s32 s2, s4;
	[dreg:$0x0] =	wrdreg $0x0  }
0xa8: {  	s4 =	sshll.u32 s28, $0x1;
	[dreg:$0x2] =	wrdreg s2  }
0xa9: {  	[dreg:$0x3] =	wrdreg s4  }
0xaa: {  	[dreg:$0x4] =	wrdreg $0xC0  }
0xab: {  	_ =	task [dreg:s6], $0x5FFFF  }
0xac: {  	[dreg:$0x1] =	wrdreg $0xFFFFFFFF  }
0xad: {  	[dreg:$0x0] =	wrdreg $0x60  }
0xae: {  	[dreg:$0x2] =	wrdreg s24  }
0xaf: {  	[dreg:$0x3] =	wrdreg $0x8B000  }
0xb0: {  	[dreg:$0x4] =	wrdreg $0x9  }
0xb1: {  	_ =	task.clear_ibuf [dreg:s6], $0x5FFFF;
	_ =	strace $0x9000004C  }
0xb2: {  	s29 =	simm.s32 $0x9;
	_ =	strace $0x8000004E  }
0xb3: {  	_ =	swait.ge [sflag:s29], $0x1  }
0xb4: {  	[sflag:s29] =	ssyncadd.s32 $0xFFFFFFFF  }
0xb5: {  	_ =	strace $0x9000004E  }
0xb6: {  	_ =	sfence  }
0xb7: {  	s30 =	sld [smem:$0x0];
	_ =	sdelay $0x2  }
0xb8: {  	s31 =	sshll.u32 s1, $0xD;
	s1 =	sshrl.u32 s1, $0x2  }
0xb9: {  	s3 =	sand.u32 $0x4000, s31;
	s1 =	sadd.s32 s1, s30  }
0xba: {  	s0 =	sor.u32 s3, s0;
	s1 =	sshll.u32 s1, $0x11  }
0xbb: {  	s0 =	sor.u32 s1, s0  }
0xbc: {  	s0 =	sadd.s32 $0x8F2B, s0  }
0xbd: {  	[sflag:s0] =	ssyncadd.remote.s32 $0x1  }
0xbe: {  	_ =	sfence.sel $0xFFFF  }
0xbf: {  	[dreg:$0x0] =	wrdreg $0xFFFFFFFF;
	(pc) =	sbr.abs _section_cstart, $3  }
0xc0: {  	[dreg:$0x1] =	wrdreg $0xFFFFFFFF  }
0xc1: {  	_ =	task.clear_ibuf [dreg:s6], $0x2FFFF;
	_ =	strace $0x9FFFFFFF  }
0xc2: {  	(tm) =	ssettm $0x7FFFFFFF  }
0xc3: {  	_ =	shalt  }
tec
execute0_lowered:
.L_overlay_start_1:
0x0: {  	(tag) =	ssettag $0x1  }
0x1: {  	s0 =	rddreg [dreg:$0x0]  }
0x2: {  	s2 =	rddreg [dreg:$0x1];
	s3 =	simm.s32 $0x0;
	s12 =	stileid.u32  }
0x3: {  	s1 =	srdreg.scid;
	s28 =	simm.s32 $0x2;
	s29 =	simm.s32 $0x8200  }
0x4: {  	s30 =	simm.s32 $0x8280;
	s31 =	simm.s32 $0x10;
	s7 =	smul.u32 $0x14000, s12  }
0x5: {  	[smem:$0x7FF] =	sst s3;
	s1 =	sand.u32 $0x1, s1;
	s11 =	smul.u32 $0x50000, s12  }
0x6: {  	s4 =	sadd.s32 $0x16000, s0;
	s5 =	sadd.s32 $0x2400, s0;
	s20 =	smul.u32 $0x4E20, s12  }
0x7: {  	s9 =	sshll.u32 s12, $0x1;
	s6 =	sadd.s32 $0xC200, s0;
	s8 =	smul.u32 $0x140000, s1  }
0x8: {  	s9 =	sor.u32 s1, s9;
	s18 =	ssub.s32 $0x2, s1;
	s1 =	smul.u32 $0x2710, s1  }
0x9: {  	_ =	strace $0x8000004D;
	s9 =	smul.u32 $0x2710, s9;
	s10 =	sshrl.u32 s18, $0x1  }
0xa: {  	s11 =	sshrl.u32 s11, $0x2;
	s8 =	sadd.s32 s7, s8;
	s7 =	sshrl.u32 s7, $0x3  }
0xb: {  	s11 =	sadd.s32 s11, s2;
	s1 =	sadd.s32 s1, s20;
	s20 =	simm.s32 $0x4  }
0xc: {  	s8 =	sshrl.u32 s8, $0x3;
	s7 =	sadd.s32 s7, s0;
	s9 =	sshrl.u32 s9, $0x3  }
0xd: {  	[dreg:$0x5] =	wrdreg s11;
	s25 =	sadd.s32 $0x80, s1;
	s17 =	sadd.s32 $0x100, s1  }
0xe: {  	s1 =	simm.s32 $0x3;
	s0 =	sadd.s32 s8, s0;
	s19 =	sadd.s32 s5, s9  }
0xf: {  	s8 =	ssub.s32 s18, s10;
	s21 =	sadd.s32 s6, s9;
	[dreg:$0x3] =	wrdreg s19  }
0x10: {  	s7 =	sadd.s32 $0x3D200, s7;
	s22 =	sadd.s32 $0x4E0, s9;
	[dreg:$0x4] =	wrdreg s21  }
0x11: {  	s24 =	sadd.s32 $0x4D0, s9;
	[dreg:$0x6] =	wrdreg s7;
	s23 =	sadd.s32 s5, s22  }
0x12: {  	s7 =	sadd.s32 s6, s22;
	s0 =	sadd.s32 $0x65200, s0;
	[dreg:$0x7] =	wrdreg s23  }
0x13: {  	s8 =	smax.u32 s8, $0x1;
	s26 =	sadd.s32 s5, s24;
	[dreg:$0x8] =	wrdreg s7  }
0x14: {  	s16 =	sadd.s32 s6, s24;
	s21 =	simm.s32 $0x80;
	[dreg:$0x9] =	wrdreg s0  }
0x15: {  	s22 =	simm.s32 $0x100;
	s24 =	simm.s32 $0x4200;
	[dreg:$0xa] =	wrdreg s8  }
0x16: {  	[dreg:$0xb] =	wrdreg s26;
	s7 =	sshrl.u32 s25, $0x3;
	s23 =	simm.s32 $0x4100  }
0x17: {  	s25 =	simm.s32 $0x4180;
	s26 =	simm.s32 $0x1;
	s0 =	simm.s32 $0x8300  }
0x18: {  	s18 =	sadd.s32 s7, s6;
	s19 =	sadd.s32 s7, s5;
	s7 =	simm.s32 $0x0  }
.LBB2_1:
0x19: {  	s8 =	rddreg [dreg:$0x3]  }
0x1a: {  	[tilespmem:s3], [sflag:$0x4] =	stream.linear.gather [hbm4b:s8+s3], $0x80, $0x38;
	[tilespmem:$0x1CB00] =	vst v63  }
0x1b: {  	_ =	swait.ge [sflag:s20], $0x80  }
0x1c: {  	[sflag:s20] =	ssyncset.done $0x0  }
0x1d: {  	[sflag:s20] =	ssyncadd.s32 $0xFFFFFF80  }
0x1e: {  	[tilespmem:s22], [sflag:$0x1] =	stream.indirect.gather [hbm4b:s4+s21], $0x80, s3, s21, $0xb8;
	[tilespmem:$0x1CB00] =	vst v63  }
0x1f: {  	s12 =	stileid.u32;
	s11 =	rddreg [dreg:$0x4]  }
0x20: {  	[tilespmem:s21], [sflag:$0x4] =	stream.linear.gather [hbm4b:s11+s3], $0x80, $0x38;
	[tilespmem:$0x1CB00] =	vst v63  }
0x21: {  	s8 =	sshll.u32 s12, $0x6;
	_ =	swait.ge [sflag:s20], $0x80  }
0x22: {  	s8 =	sor.u32 $0x1C04, s8;
	[sflag:s20] =	ssyncset.done $0x0;
	s9 =	rddreg [dreg:$0x5]  }
0x23: {  	s10 =	rddreg [dreg:$0x6];
	[sflag:s20] =	ssyncadd.s32 $0xFFFFFF80;
	s9 =	sshrl.u32 s9, $0x3  }
0x24: {  	[spmem:s9], [sflag:s8] =	dma.local [hbm:s10], $0x2800  }
0x25: {  	_ =	swait.ge [sflag:s20], $0x2800  }
0x26: {  	[sflag:s20] =	ssyncset.done $0x0  }
0x27: {  	[sflag:s20] =	ssyncadd.s32 $0xFFFFD800  }
0x28: {  	s13 =	sadd.s32 $0x0, s19;
	[bflag:$0x0] =	sbarrier.arrive $0xFFFF  }
0x29: {  	[tilespmem:s23], [sflag:$0x4] =	stream.linear.gather [hbm4b:s13+s3], $0x80, $0x38;
	[tilespmem:$0x1CB00] =	vst v63  }
0x2a: {  	_ =	swait.ge [sflag:s20], $0x80  }
0x2b: {  	[sflag:s20] =	ssyncset.done $0x0  }
0x2c: {  	[sflag:s20] =	ssyncadd.s32 $0xFFFFFF80  }
0x2d: {  	[tilespmem:s24], [sflag:$0x2] =	stream.indirect.gather [hbm4b:s4+s21], $0x80, s23, s21, $0xb8;
	[tilespmem:$0x1CB00] =	vst v63  }
0x2e: {  	s14 =	sadd.s32 $0x0, s18  }
0x2f: {  	[tilespmem:s25], [sflag:$0x4] =	stream.linear.gather [hbm4b:s14+s3], $0x80, $0x38;
	[tilespmem:$0x1CB00] =	vst v63  }
0x30: {  	_ =	swait.ge [sflag:s20], $0x80  }
0x31: {  	[sflag:s20] =	ssyncset.done $0x0  }
0x32: {  	[sflag:s20] =	ssyncadd.s32 $0xFFFFFF80  }
0x33: {  	_ =	swait.ge [sflag:s26], $0x4000  }
0x34: {  	[sflag:s26] =	ssyncset.done $0x0  }
0x35: {  	[sflag:s26] =	ssyncadd.s32 $0xFFFFC000  }
0x36: {  	[spmem:s2] =	stream.indirect.scatter.add.f32 [tilespmem:s22], [sflag:$0x4], $0x80, s21, s21, $0xb8;
	[tilespmem:$0x1CB00] =	vst v63  }
0x37: {  	_ =	swait.ge [sflag:s20], $0x4000  }
0x38: {  	s15 =	sshrl.u32 s17, $0x3;
	[sflag:s20] =	ssyncset.done $0x0  }
0x39: {  	s11 =	sadd.s32 s5, s15;
	[sflag:s20] =	ssyncadd.s32 $0xFFFFC000  }
0x3a: {  	[tilespmem:s3], [sflag:$0x4] =	stream.linear.gather [hbm4b:s11+s3], $0x80, $0x38;
	[tilespmem:$0x1CB00] =	vst v63  }
0x3b: {  	_ =	swait.ge [sflag:s20], $0x80  }
0x3c: {  	[sflag:s20] =	ssyncset.done $0x0  }
0x3d: {  	[sflag:s20] =	ssyncadd.s32 $0xFFFFFF80  }
0x3e: {  	[tilespmem:s22], [sflag:$0x1] =	stream.indirect.gather [hbm4b:s4+s21], $0x80, s3, s21, $0xb8;
	[tilespmem:$0x1CB00] =	vst v63  }
0x3f: {  	s10 =	sadd.s32 s6, s15  }
0x40: {  	[tilespmem:s21], [sflag:$0x4] =	stream.linear.gather [hbm4b:s10+s3], $0x80, $0x38;
	[tilespmem:$0x1CB00] =	vst v63  }
0x41: {  	_ =	swait.ge [sflag:s20], $0x80  }
0x42: {  	[sflag:s20] =	ssyncset.done $0x0  }
0x43: {  	[sflag:s20] =	ssyncadd.s32 $0xFFFFFF80  }
0x44: {  	_ =	swait.ge [sflag:s28], $0x4000  }
0x45: {  	[sflag:s28] =	ssyncset.done $0x0  }
0x46: {  	[sflag:s28] =	ssyncadd.s32 $0xFFFFC000  }
0x47: {  	[spmem:s2] =	stream.indirect.scatter.add.f32 [tilespmem:s24], [sflag:$0x4], $0x80, s25, s21, $0xb8;
	[tilespmem:$0x1CB00] =	vst v63  }
0x48: {  	s12 =	simm.s32 $0x40;
	_ =	swait.ge [sflag:s20], $0x4000  }
0x49: {  	s11 =	simm.s32 $0x20;
	s10 =	sadd.s32 $0x100, s17;
	[sflag:s20] =	ssyncset.done $0x0  }
.LBB2_2:
0x4a: {  	s14 =	sadd.s32 s11, s19  }
0x4b: {  	[sflag:s20] =	ssyncadd.s32 $0xFFFFC000;
	s15 =	smov.u32 s12;
	s13 =	sadd.s32 $0x20, s12  }
0x4c: {  	[tilespmem:s23], [sflag:$0x4] =	stream.linear.gather [hbm4b:s14+s3], $0x80, $0x38;
	[tilespmem:$0x1CB00] =	vst v63  }
0x4d: {  	p0 =	sne.s32 s12, $0x4A0;
	_ =	swait.ge [sflag:s20], $0x80  }
0x4e: {  	[sflag:s20] =	ssyncset.done $0x0  }
0x4f: {  	[sflag:s20] =	ssyncadd.s32 $0xFFFFFF80  }
0x50: {  	[tilespmem:s24], [sflag:$0x2] =	stream.indirect.gather [hbm4b:s4+s21], $0x80, s23, s21, $0xb8;
	[tilespmem:$0x1CB00] =	vst v63  }
0x51: {  	s12 =	sadd.s32 s11, s18;
	s11 =	smov.u32 s15  }
0x52: {  	[tilespmem:s25], [sflag:$0x4] =	stream.linear.gather [hbm4b:s12+s3], $0x80, $0x38;
	[tilespmem:$0x1CB00] =	vst v63  }
0x53: {  	_ =	swait.ge [sflag:s20], $0x80  }
0x54: {  	[sflag:s20] =	ssyncset.done $0x0  }
0x55: {  	[sflag:s20] =	ssyncadd.s32 $0xFFFFFF80  }
0x56: {  	_ =	swait.ge [sflag:s26], $0x4000  }
0x57: {  	[sflag:s26] =	ssyncset.done $0x0  }
0x58: {  	[sflag:s26] =	ssyncadd.s32 $0xFFFFC000  }
0x59: {  	[spmem:s2] =	stream.indirect.scatter.add.f32 [tilespmem:s22], [sflag:$0x4], $0x80, s21, s21, $0xb8;
	[tilespmem:$0x1CB00] =	vst v63  }
0x5a: {  	_ =	swait.ge [sflag:s20], $0x4000  }
0x5b: {  	s12 =	sshrl.u32 s10, $0x3;
	[sflag:s20] =	ssyncset.done $0x0  }
0x5c: {  	s14 =	sadd.s32 s5, s12;
	[sflag:s20] =	ssyncadd.s32 $0xFFFFC000  }
0x5d: {  	[tilespmem:s3], [sflag:$0x4] =	stream.linear.gather [hbm4b:s14+s3], $0x80, $0x38;
	[tilespmem:$0x1CB00] =	vst v63  }
0x5e: {  	_ =	swait.ge [sflag:s20], $0x80  }
0x5f: {  	[sflag:s20] =	ssyncset.done $0x0  }
0x60: {  	[sflag:s20] =	ssyncadd.s32 $0xFFFFFF80  }
0x61: {  	[tilespmem:s22], [sflag:$0x1] =	stream.indirect.gather [hbm4b:s4+s21], $0x80, s3, s21, $0xb8;
	[tilespmem:$0x1CB00] =	vst v63  }
0x62: {  	s12 =	sadd.s32 s6, s12  }
0x63: {  	[tilespmem:s21], [sflag:$0x4] =	stream.linear.gather [hbm4b:s12+s3], $0x80, $0x38;
	[tilespmem:$0x1CB00] =	vst v63  }
0x64: {  	_ =	swait.ge [sflag:s20], $0x80  }
0x65: {  	[sflag:s20] =	ssyncset.done $0x0  }
0x66: {  	[sflag:s20] =	ssyncadd.s32 $0xFFFFFF80  }
0x67: {  	_ =	swait.ge [sflag:s28], $0x4000  }
.Ltmp0:
0x68: {  	[sflag:s28] =	ssyncset.done $0x0;
	(pc) =	sbr.rel @p0 .LBB2_2-.Ltmp0, $4  }
0x69: {  	[sflag:s28] =	ssyncadd.s32 $0xFFFFC000  }
0x6a: {  	[spmem:s2] =	stream.indirect.scatter.add.f32 [tilespmem:s24], [sflag:$0x4], $0x80, s25, s21, $0xb8;
	[tilespmem:$0x1CB00] =	vst v63  }
0x6b: {  	_ =	swait.ge [sflag:s20], $0x4000  }
0x6c: {  	s10 =	sadd.s32 $0x100, s10;
	s12 =	smov.u32 s13;
	[sflag:s20] =	ssyncset.done $0x0  }
0x6d: {  	s12 =	sadd.s32 s11, s19;
	[sflag:s20] =	ssyncadd.s32 $0xFFFFC000  }
0x6e: {  	[tilespmem:s23], [sflag:$0x4] =	stream.linear.gather [hbm4b:s12+s3], $0x80, $0x38;
	[tilespmem:$0x1CB00] =	vst v63  }
0x6f: {  	_ =	swait.ge [sflag:s20], $0x80  }
0x70: {  	[sflag:s20] =	ssyncset.done $0x0  }
0x71: {  	[sflag:s20] =	ssyncadd.s32 $0xFFFFFF80  }
0x72: {  	[tilespmem:s24], [sflag:$0x2] =	stream.indirect.gather [hbm4b:s4+s21], $0x80, s23, s21, $0xb8;
	[tilespmem:$0x1CB00] =	vst v63  }
0x73: {  	s14 =	sadd.s32 s11, s18  }
0x74: {  	[tilespmem:s25], [sflag:$0x4] =	stream.linear.gather [hbm4b:s14+s3], $0x80, $0x38;
	[tilespmem:$0x1CB00] =	vst v63  }
0x75: {  	_ =	swait.ge [sflag:s20], $0x80  }
0x76: {  	[sflag:s20] =	ssyncset.done $0x0  }
0x77: {  	[sflag:s20] =	ssyncadd.s32 $0xFFFFFF80  }
0x78: {  	_ =	swait.ge [sflag:s26], $0x4000  }
0x79: {  	[sflag:s26] =	ssyncset.done $0x0  }
0x7a: {  	[sflag:s26] =	ssyncadd.s32 $0xFFFFC000  }
0x7b: {  	[spmem:s2] =	stream.indirect.scatter.add.f32 [tilespmem:s22], [sflag:$0x4], $0x80, s21, s21, $0xb8;
	[tilespmem:$0x1CB00] =	vst v63  }
0x7c: {  	_ =	swait.ge [sflag:s20], $0x4000  }
0x7d: {  	s10 =	sshrl.u32 s10, $0x3;
	[sflag:s20] =	ssyncset.done $0x0  }
0x7e: {  	s15 =	sadd.s32 s5, s10;
	[sflag:s20] =	ssyncadd.s32 $0xFFFFC000  }
0x7f: {  	[tilespmem:s3], [sflag:$0x4] =	stream.linear.gather [hbm4b:s15+s3], $0x80, $0x38;
	[tilespmem:$0x1CB00] =	vst v63  }
0x80: {  	_ =	swait.ge [sflag:s20], $0x80  }
0x81: {  	[sflag:s20] =	ssyncset.done $0x0  }
0x82: {  	[sflag:s20] =	ssyncadd.s32 $0xFFFFFF80  }
0x83: {  	[tilespmem:s22], [sflag:$0x1] =	stream.indirect.gather [hbm4b:s4+s21], $0x80, s3, s21, $0xb8;
	[tilespmem:$0x1CB00] =	vst v63  }
0x84: {  	s10 =	sadd.s32 s6, s10  }
0x85: {  	[tilespmem:s21], [sflag:$0x4] =	stream.linear.gather [hbm4b:s10+s3], $0x80, $0x38;
	[tilespmem:$0x1CB00] =	vst v63  }
0x86: {  	_ =	swait.ge [sflag:s20], $0x80  }
0x87: {  	[sflag:s20] =	ssyncset.done $0x0  }
0x88: {  	[sflag:s20] =	ssyncadd.s32 $0xFFFFFF80  }
0x89: {  	_ =	swait.ge [sflag:s28], $0x4000  }
0x8a: {  	[sflag:s28] =	ssyncset.done $0x0  }
0x8b: {  	[sflag:s28] =	ssyncadd.s32 $0xFFFFC000  }
0x8c: {  	[spmem:s2] =	stream.indirect.scatter.add.f32 [tilespmem:s24], [sflag:$0x4], $0x80, s25, s21, $0xb8;
	[tilespmem:$0x1CB00] =	vst v63  }
0x8d: {  	_ =	swait.ge [sflag:s20], $0x4000  }
0x8e: {  	[sflag:s20] =	ssyncset.done $0x0  }
0x8f: {  	s11 =	rddreg [dreg:$0xb];
	[sflag:s20] =	ssyncadd.s32 $0xFFFFC000  }
0x90: {  	[tilespmem:s23], [sflag:$0x4] =	stream.linear.gather [hbm4b:s11+s3], $0x80, $0x38;
	[tilespmem:$0x1CB00] =	vst v63  }
0x91: {  	_ =	swait.ge [sflag:s20], $0x80  }
0x92: {  	[sflag:s20] =	ssyncset.done $0x0  }
0x93: {  	[sflag:s20] =	ssyncadd.s32 $0xFFFFFF80  }
0x94: {  	[tilespmem:s24], [sflag:$0x2] =	stream.indirect.gather [hbm4b:s4+s21], $0x80, s23, s21, $0xb8;
	[tilespmem:$0x1CB00] =	vst v63  }
0x95: {  	_ = 	snop  }
0x96: {  	[tilespmem:s25], [sflag:$0x4] =	stream.linear.gather [hbm4b:s16+s3], $0x80, $0x38;
	[tilespmem:$0x1CB00] =	vst v63  }
0x97: {  	_ =	swait.ge [sflag:s20], $0x80  }
0x98: {  	[sflag:s20] =	ssyncset.done $0x0  }
0x99: {  	[sflag:s20] =	ssyncadd.s32 $0xFFFFFF80  }
0x9a: {  	_ =	swait.ge [sflag:s26], $0x4000  }
0x9b: {  	[sflag:s26] =	ssyncset.done $0x0  }
0x9c: {  	[sflag:s26] =	ssyncadd.s32 $0xFFFFC000  }
0x9d: {  	[spmem:s2] =	stream.indirect.scatter.add.f32 [tilespmem:s22], [sflag:$0x4], $0x80, s21, s21, $0xb8;
	[tilespmem:$0x1CB00] =	vst v63  }
0x9e: {  	_ =	swait.ge [sflag:s20], $0x4000  }
0x9f: {  	[sflag:s20] =	ssyncset.done $0x0  }
0xa0: {  	[sflag:s20] =	ssyncadd.s32 $0xFFFFC000  }
0xa1: {  	_ =	swait.ge [sflag:s28], $0x4000  }
0xa2: {  	[sflag:s28] =	ssyncset.done $0x0  }
0xa3: {  	[sflag:s28] =	ssyncadd.s32 $0xFFFFC000  }
0xa4: {  	[spmem:s2] =	stream.indirect.scatter.add.f32 [tilespmem:s24], [sflag:$0x4], $0x80, s25, s21, $0xb8;
	[tilespmem:$0x1CB00] =	vst v63  }
0xa5: {  	_ =	swait.ge [sflag:s20], $0x4000  }
0xa6: {  	[sflag:s20] =	ssyncset.done $0x0  }
0xa7: {  	s12 =	rddreg [dreg:$0x7];
	[sflag:s20] =	ssyncadd.s32 $0xFFFFC000  }
0xa8: {  	[tilespmem:s29], [sflag:$0x4] =	stream.linear.gather [hbm4b:s12+s3], $0x10, $0x38;
	[tilespmem:$0x1CB00] =	vst v63  }
0xa9: {  	_ =	swait.ge [sflag:s20], $0x10  }
0xaa: {  	[sflag:s20] =	ssyncset.done $0x0  }
0xab: {  	s13 =	rddreg [dreg:$0x8];
	[sflag:s20] =	ssyncadd.s32 $0xFFFFFFF0  }
0xac: {  	[tilespmem:s30], [sflag:$0x4] =	stream.linear.gather [hbm4b:s13+s3], $0x10, $0x38;
	[tilespmem:$0x1CB00] =	vst v63  }
0xad: {  	_ =	swait.ge [sflag:s20], $0x10  }
0xae: {  	[sflag:s20] =	ssyncset.done $0x0  }
0xaf: {  	[sflag:s20] =	ssyncadd.s32 $0xFFFFFFF0  }
0xb0: {  	[tilespmem:s0], [sflag:$0x3] =	stream.indirect.gather [hbm4b:s4+s31], $0x80, s29, s31, $0xb8;
	[tilespmem:$0x1CB00] =	vst v63  }
0xb1: {  	_ =	swait.ge [sflag:s1], $0x800  }
0xb2: {  	[sflag:s1] =	ssyncset.done $0x0  }
0xb3: {  	[sflag:s1] =	ssyncadd.s32 $0xFFFFF800  }
0xb4: {  	[spmem:s2] =	stream.indirect.scatter.add.f32 [tilespmem:s0], [sflag:$0x4], $0x80, s30, s31, $0xb8;
	[tilespmem:$0x1CB00] =	vst v63  }
0xb5: {  	_ =	swait.ge [sflag:s20], $0x800  }
0xb6: {  	[sflag:s20] =	ssyncset.done $0x0  }
0xb7: {  	[sflag:s20] =	ssyncadd.s32 $0xFFFFF800  }
0xb8: {  	[bflag:$0x0] =	sbarrier.arrive $0xFFFF  }
0xb9: {  	s14 =	rddreg [dreg:$0x9]  }
0xba: {  	[hbm:s14], [sflag:s8] =	dma.local [spmem:s9], $0x2800  }
0xbb: {  	_ =	swait.ge [sflag:s20], $0x2800  }
0xbc: {  	s7 =	sadd.s32 $0x1, s7;
	s15 =	rddreg [dreg:$0xa]  }
0xbd: {  	p0 =	sne.s32 s7, s15  }
.Ltmp1:
0xbe: {  	_ = 	snop;
	(pc) =	sbr.rel @p0 .LBB2_1-.Ltmp1, $3  }
0xbf: {  	_ =	sdelay $0x1  }
0xc0: {  	[sflag:s20] =	ssyncset.done $0x0  }
0xc1: {  	[sflag:s20] =	ssyncadd.s32 $0xFFFFD800  }
0xc2: {  	_ =	sfence.sel $0x180000  }
0xc3: {  	[bflag:$0x0] =	sbarrier.arrive $0xFFFF  }
0xc4: {  	_ =	strace $0x9000004D  }
0xc5: {  	s0 =	stileid.u32;
	[bflag:$0x2] =	sbarrier.arrive $0xFFFF  }
0xc6: {  	p0 =	sne.s32 s0, $0x0;
	s0 =	rddreg [dreg:$0x2]  }
0xc7: {  	s0 =	sadd.s32 @!p0 $0x100000, s0  }
0xc8: {  	[sflag:s0] =	ssyncadd.tile.s32 @!p0 $0x1;
	_ =	shalt  }
.Lfunc_end2:
_tile_overlayer_lowered:
.L_overlay_start_2:
0xc9: {  	(tag) =	ssettag $0x2  }
0xca: {  	s0 =	rddreg [dreg:$0x0];
	s2 =	stileid.u32  }
0xcb: {  	s1 =	rddreg [dreg:$0x1];
	p0 =	sne.s32 s2, $0x0  }
0xcc: {  	s3 =	rddreg [dreg:$0x2];
	[bflag:$0x3] =	sbarrier.arrive $0xFFFF;
	s2 =	simm.s32 @!p0 $0x1C04  }
0xcd: {  	[timem:s3], [sflag:s2] =	dma.local @!p0 [hbm:s0], s1  }
0xce: {  	s0 =	simm.s32 @!p0 $0x4  }
0xcf: {  	_ =	swait.ge @!p0 [sflag:s0], s1  }
0xd0: {  	s1 =	ssub.s32 @!p0 $0x0, s1;
	[sflag:s0] =	ssyncset.done @!p0 $0x0  }
0xd1: {  	[sflag:s0] =	ssyncadd.s32 @!p0 s1  }
0xd2: {  	[bflag:$0x3] =	sbarrier.arrive $0xFFFF  }
0xd3: {  	_ =	shalt  }

// kernel: kernel.8.cloned.1.call-start
scs
__scs_entry_jumppad:
0x0: {  	(pc) =	sbr.rel $0x88, $3  }
0x1: {  	(tag) =	ssettag $0x0;
	lr =	simm.s32 $0x1  }
0x2: {  	[smem:$0x3F99] =	sst lr;
	_ =	strace $0xD0000000  }
0x3: {  	_ = 	snop  }
0x4: {  	_ = 	snop  }
0x5: {  	_ = 	snop  }
0x6: {  	_ = 	snop  }
0x7: {  	_ = 	snop  }
__scs_overlays_trampoline_lowered:
0x8: {  	[smem:$0x3FA8] =	sst s0  }
0x9: {  	[smem:$0x3FA9] =	sst s1  }
0xa: {  	[smem:$0x3FAA] =	sst s2  }
0xb: {  	[smem:$0x3FAB] =	sst s3  }
0xc: {  	[smem:$0x3FAC] =	sst s4  }
0xd: {  	[smem:$0x3FAD] =	sst s5  }
0xe: {  	[smem:$0x3FAE] =	sst s6  }
0xf: {  	[smem:$0x3FAF] =	sst s7  }
0x10: {  	[smem:$0x3FB0] =	sst s8  }
0x11: {  	[smem:$0x3FB1] =	sst s9;
	s0 =	simm.s32 @!p0 $0x0  }
0x12: {  	s1 =	sld [smem:$0x3F97];
	s0 =	simm.s32 @p0 $0x1  }
0x13: {  	[smem:$0x3FB2] =	sst s0;
	s0 =	simm.s32 @!p1 $0x0  }
0x14: {  	s2 =	sld [smem:$0x3F96];
	s0 =	simm.s32 @p1 $0x1  }
0x15: {  	[smem:$0x3FB3] =	sst s0;
	s0 =	simm.s32 @!p2 $0x0  }
0x16: {  	s3 =	sld [smem:$0x3FDB];
	s0 =	simm.s32 @p2 $0x1  }
0x17: {  	s4 =	simm.s32 $0x1BF5;
	[smem:$0x3FB5] =	sst s0  }
0x18: {  	s0 =	sld [smem:$0x3F98];
	_ =	swait.ge [sflag:s4], $0x0  }
0x19: {  	s7 =	sld [smem:$0x3F99]  }
0x1a: {  	s8 =	sadd.s32 $0xFFFFE003, lr  }
0x1b: {  	s9 =	sadd.s32 $0xFFFFFEF7, lr;
	s5 =	simm.s32 $0xFFFFFFFF;
	p2 =	slt.u32 s8, $0xFFFFF086  }
0x1c: {  	p1 =	slt.u32 s9, $0xF7A;
	s5 =	simm.s32 @!p2 $0x0  }
0x1d: {  	s5 =	simm.s32 @p1 $0x1;
	p0 =	seq.s32 s7, s2  }
0x1e: {  	s7 =	smul.u32 @!p0 $0xF7A, s2;
	p2 =	seq.s32 @!p0 s5, $0x0  }
0x1f: {  	s9 =	smul.u32 $0xF7A, s1;
	s8 =	simm.s32 @!p0 $0x1BF5;
	p2 =	por !p2, p0  }
0x20: {  	[sflag:s8] =	ssyncset.s32 @!p0 $0xFFFFF086;
	s6 =	sadd.s32 @!p0 s3, s7;
	s7 =	simm.s32 @!p0 $0x108  }
0x21: {  	s3 =	sadd.s32 s3, s9;
	s6 =	sadd.s32 @!p0 $0x88, s6;
	s7 =	simm.s32 @p2 $0x1082  }
0x22: {  	[simem:s7], [sflag:s8] =	dma.local @!p0 [hbm:s6], $0xF7A  }
0x23: {  	s9 =	sor.u32 $0xD0000000, s2;
	s6 =	simm.s32 $0x108;
	_ =	swait.ge @!p0 [sflag:s8], $0x0  }
0x24: {  	s3 =	sadd.s32 $0x88, s3;
	s6 =	simm.s32 @!p1 $0x1082;
	[sflag:s4] =	ssyncset.s32 $0xFFFFF086  }
0x25: {  	[simem:s6], [sflag:s4] =	dma.local [hbm:s3], $0xF7A  }
0x26: {  	[smem:$0x3F99] =	sst s1;
	(tag) =	ssettag s2;
	_ =	strace s9  }
0x27: {  	s1 =	sld [smem:$0x3FA9]  }
0x28: {  	s2 =	sld [smem:$0x3FAA]  }
0x29: {  	s4 =	sld [smem:$0x3FAC]  }
0x2a: {  	p0 =	seq.s32 s5, $0x0;
	s5 =	sld [smem:$0x3FAD]  }
0x2b: {  	s6 =	sld [smem:$0x3FAE]  }
0x2c: {  	s7 =	sld [smem:$0x3FAF]  }
0x2d: {  	s3 =	simm.s32 $0x108;
	s8 =	sld [smem:$0x3FB0]  }
0x2e: {  	s3 =	simm.s32 @!p0 $0x1082;
	s9 =	sld [smem:$0x3FB1]  }
0x2f: {  	lr =	sadd.s32 s0, s3;
	s0 =	sld [smem:$0x3FA8]  }
0x30: {  	s3 =	sld [smem:$0x3FAB]  }
0x31: {  	[smem:$0x3FB4] =	sst s10  }
0x32: {  	s10 =	sld [smem:$0x3FB2];
	_ =	sdelay $0x3  }
0x33: {  	p0 =	seq.s32 s10, $0x1;
	s10 =	sld [smem:$0x3FB4];
	_ =	sdelay $0x3  }
0x34: {  	[smem:$0x3FB4] =	sst s10  }
0x35: {  	s10 =	sld [smem:$0x3FB3];
	_ =	sdelay $0x3  }
0x36: {  	p1 =	seq.s32 s10, $0x1;
	s10 =	sld [smem:$0x3FB4];
	_ =	sdelay $0x3  }
0x37: {  	[smem:$0x3FB4] =	sst s10  }
0x38: {  	s10 =	sld [smem:$0x3FB5]  }
0x39: {  	_ = 	snop;
	(pc) =	sbr.ind lr, $3  }
0x3a: {  	_ = 	snop  }
0x3b: {  	_ = 	snop  }
0x3c: {  	p2 =	seq.s32 s10, $0x1;
	s10 =	sld [smem:$0x3FB4]  }
0x3d: {  	_ =	shalt  }
0x3e: {  	_ =	shalt  }
0x3f: {  	_ =	shalt  }
0x40: {  	_ =	shalt  }
0x41: {  	_ =	shalt  }
0x42: {  	_ =	shalt  }
0x43: {  	_ =	shalt  }
0x44: {  	_ =	shalt  }
0x45: {  	_ =	shalt  }
0x46: {  	_ =	shalt  }
0x47: {  	_ =	shalt  }
0x48: {  	_ =	shalt  }
0x49: {  	_ =	shalt  }
0x4a: {  	_ =	shalt  }
0x4b: {  	_ =	shalt  }
0x4c: {  	_ =	shalt  }
0x4d: {  	_ =	shalt  }
0x4e: {  	_ =	shalt  }
0x4f: {  	_ =	shalt  }
0x50: {  	_ =	shalt  }
0x51: {  	_ =	shalt  }
0x52: {  	_ =	shalt  }
0x53: {  	_ =	shalt  }
0x54: {  	_ =	shalt  }
0x55: {  	_ =	shalt  }
0x56: {  	_ =	shalt  }
0x57: {  	_ =	shalt  }
0x58: {  	_ =	shalt  }
0x59: {  	_ =	shalt  }
0x5a: {  	_ =	shalt  }
0x5b: {  	_ =	shalt  }
0x5c: {  	_ =	shalt  }
0x5d: {  	_ =	shalt  }
0x5e: {  	_ =	shalt  }
0x5f: {  	_ =	shalt  }
0x60: {  	_ =	shalt  }
0x61: {  	_ =	shalt  }
0x62: {  	_ =	shalt  }
0x63: {  	_ =	shalt  }
0x64: {  	_ =	shalt  }
0x65: {  	_ =	shalt  }
0x66: {  	_ =	shalt  }
0x67: {  	_ =	shalt  }
0x68: {  	_ =	shalt  }
0x69: {  	_ =	shalt  }
0x6a: {  	_ =	shalt  }
0x6b: {  	_ =	shalt  }
0x6c: {  	_ =	shalt  }
0x6d: {  	_ =	shalt  }
0x6e: {  	_ =	shalt  }
0x6f: {  	_ =	shalt  }
0x70: {  	_ =	shalt  }
0x71: {  	_ =	shalt  }
0x72: {  	_ =	shalt  }
0x73: {  	_ =	shalt  }
0x74: {  	_ =	shalt  }
0x75: {  	_ =	shalt  }
0x76: {  	_ =	shalt  }
0x77: {  	_ =	shalt  }
0x78: {  	_ =	shalt  }
0x79: {  	_ =	shalt  }
0x7a: {  	_ =	shalt  }
0x7b: {  	_ =	shalt  }
0x7c: {  	_ =	shalt  }
0x7d: {  	_ =	shalt  }
0x7e: {  	_ =	shalt  }
0x7f: {  	_ =	shalt  }
0x80: {  	_ =	shalt  }
0x81: {  	_ =	shalt  }
0x82: {  	_ =	shalt  }
0x83: {  	_ =	shalt  }
0x84: {  	_ =	shalt  }
0x85: {  	_ =	shalt  }
0x86: {  	_ =	shalt  }
0x87: {  	_ =	shalt  }
.Lfunc_end0:
.L_simem_size_0:
called_computation_lowered:
.L_overlay_start_0:
0x88: {  	s2 =	sld [smem:$0x3FD9]  }
0x89: {  	s3 =	sld [smem:$0x3FFE];
	_ =	sdelay $0x1  }
0x8a: {  	s1 =	srdreg.scid  }
0x8b: {  	s0 =	sand.u32 $0x1, s1  }
0x8c: {  	s16 =	sshll.u32 s0, $0xA;
	s2 =	sadd.s32 s3, s2  }
0x8d: {  	s2 =	sadd.s32 s2, s16  }
0x8e: {  	[smem:$0x3FC0] =	sst s2  }
0x8f: {  	_ = 	snop  }
0x90: {  	(tm) =	ssettm $0x1  }
0x91: {  	s17 =	sld [smem:$0x3FFB];
	_ =	sdelay $0x3  }
0x92: {  	_ =	strace s17  }
0x93: {  	s2 =	sld [smem:$0x3FFC];
	_ =	sdelay $0x3  }
0x94: {  	_ =	strace s2  }
0x95: {  	s2 =	sld [smem:$0x3FFD];
	_ =	sdelay $0x3  }
0x96: {  	_ =	strace s2  }
0x97: {  	_ =	strace $0x8FFFFFFF  }
0x98: {  	s18 =	sld [smem:$0x3FDB];
	_ =	sdelay $0x1  }
0x99: {  	s19 =	simm.s32 $_scs_section_size  }
0x9a: {  	s4 =	simm.s32 $_size__tile_overlayer_lowered;
	s5 =	simm.s32 $_tile_overlayer_lowered  }
0x9b: {  	s22 =	simm.s32 $0x1BFF;
	s21 =	sshll.u32 s5, $0x1;
	s2 =	sadd.s32 s19, s18  }
0x9c: {  	s6 =	simm.s32 $0x0;
	s20 =	sshll.u32 s4, $0x1;
	s4 =	sadd.s32 s21, s2  }
0x9d: {  	[timem:s6], [sflag:s22] =	dma.local [hbm:s4], s20  }
0x9e: {  	_ =	swait.ge [sflag:s22], s20  }
0x9f: {  	s3 =	ssub.s32 $0x0, s20;
	[sflag:s22] =	ssyncset.done $0x0  }
0xa0: {  	[sflag:s22] =	ssyncadd.s32 s3;
	_ =	sdelay $0x1  }
0xa1: {  	s23 =	simm.s32 $0x1B8B  }
0xa2: {  	_ =	swait.ge [sflag:s23], $0x1  }
0xa3: {  	[sflag:s23] =	ssyncset.done $0x0  }
0xa4: {  	s25 =	simm.s32 $0x1B8E;
	s24 =	sld [smem:$0x3FFE];
	[sflag:s23] =	ssyncadd.s32 $0xFFFFFFFF  }
0xa5: {  	s26 =	simm.s32 $execute0_lowered;
	[smem:$0x3FD2] =	sst s25  }
0xa6: {  	s4 =	sshll.u32 s26, $0x1;
	_ =	strace $0x80000046;
	[dreg:$0x1] =	wrdreg $0xFFFFFFFF  }
0xa7: {  	s28 =	simm.s32 $_size_execute0_lowered;
	s2 =	sadd.s32 s2, s4;
	[dreg:$0x0] =	wrdreg $0x0  }
0xa8: {  	s4 =	sshll.u32 s28, $0x1;
	[dreg:$0x2] =	wrdreg s2  }
0xa9: {  	[dreg:$0x3] =	wrdreg s4  }
0xaa: {  	[dreg:$0x4] =	wrdreg $0xC0  }
0xab: {  	_ =	task [dreg:s6], $0x5FFFF  }
0xac: {  	[dreg:$0x1] =	wrdreg $0xFFFFFFFF  }
0xad: {  	[dreg:$0x0] =	wrdreg $0x60  }
0xae: {  	[dreg:$0x2] =	wrdreg s24  }
0xaf: {  	[dreg:$0x3] =	wrdreg $0x9  }
0xb0: {  	_ =	task.clear_ibuf [dreg:s6], $0x4FFFF;
	_ =	strace $0x90000046  }
0xb1: {  	s29 =	simm.s32 $0x9;
	_ =	strace $0x80000048  }
0xb2: {  	_ =	swait.ge [sflag:s29], $0x1  }
0xb3: {  	[sflag:s29] =	ssyncadd.s32 $0xFFFFFFFF  }
0xb4: {  	_ =	strace $0x90000048  }
0xb5: {  	_ =	sfence  }
0xb6: {  	s30 =	sld [smem:$0x0];
	_ =	sdelay $0x2  }
0xb7: {  	s31 =	sshll.u32 s1, $0xD;
	s1 =	sshrl.u32 s1, $0x2  }
0xb8: {  	s3 =	sand.u32 $0x4000, s31;
	s1 =	sadd.s32 s1, s30  }
0xb9: {  	s0 =	sor.u32 s3, s0;
	s1 =	sshll.u32 s1, $0x11  }
0xba: {  	s0 =	sor.u32 s1, s0  }
0xbb: {  	s0 =	sadd.s32 $0x8F2B, s0  }
0xbc: {  	[sflag:s0] =	ssyncadd.remote.s32 $0x1  }
0xbd: {  	_ =	sfence.sel $0xFFFF  }
0xbe: {  	[dreg:$0x0] =	wrdreg $0xFFFFFFFF;
	(pc) =	sbr.abs _section_cstart, $3  }
0xbf: {  	[dreg:$0x1] =	wrdreg $0xFFFFFFFF  }
0xc0: {  	_ =	task.clear_ibuf [dreg:s6], $0x2FFFF;
	_ =	strace $0x9FFFFFFF  }
0xc1: {  	(tm) =	ssettm $0x7FFFFFFF  }
tec
execute0_lowered:
.L_overlay_start_1:
0x0: {  	(tag) =	ssettag $0x1  }
0x1: {  	s1 =	srdreg.scid  }
0x2: {  	s0 =	stileid.u32;
	s5 =	rddreg [dreg:$0x0]  }
0x3: {  	s2 =	simm.s32 $0x0;
	s8 =	simm.s32 $0x80;
	s9 =	simm.s32 $0x400  }
0x4: {  	s10 =	simm.s32 $0x0;
	s3 =	sand.u32 $0x1, s1;
	s29 =	sshll.u32 s0, $0x1  }
0x5: {  	s30 =	sshrl.u32 s0, $0x2;
	s1 =	rddreg [dreg:$0x1];
	s4 =	sor.u32 s3, s29  }
0x6: {  	[smem:$0x7FF] =	sst s2;
	s6 =	smul.u32 $0x14000, s30;
	s7 =	sshll.u32 s4, $0x7  }
0x7: {  	s3 =	ssub.s32 $0x2, s3;
	s4 =	smul.u32 $0x4E2, s4;
	s7 =	sand.u32 $0x380, s7  }
0x8: {  	_ =	strace $0x80000047;
	s31 =	sshrl.u32 s3, $0x1;
	s6 =	sor.u32 s6, s7  }
0x9: {  	s4 =	sadd.s32 s4, s5;
	s7 =	simm.s32 $0x2780;
	s6 =	sshrl.u32 s6, $0x3  }
0xa: {  	s5 =	sadd.s32 s6, s5;
	s6 =	ssub.s32 s3, s31;
	s3 =	sadd.s32 $0xC200, s4  }
0xb: {  	v0 =	vimm.f32 $0.0e+00;
	v1 =	vimm.f32 $1.000000000e+00;
	s4 =	sadd.s32 $0x16000, s5;
	s5 =	smax.u32 s6, $0x1;
	s6 =	simm.s32 $0x1  }
.LBB2_1:
0xc: {  	[tilespmem:s2], [sflag:$0x1] =	stream.linear.gather [hbm4b:s3+s2], $0x2710, $0x38;
	[tilespmem:$0x4F80] =	vst v63  }
0xd: {  	_ =	swait.ge [sflag:s6], $0x2710  }
0xe: {  	[sflag:s6] =	ssyncset.done $0x0  }
0xf: {  	s11 =	simm.s32 $0x0;
	[sflag:s6] =	ssyncadd.s32 $0xFFFFD8F0  }
.LBB2_2:
0x10: {  	p0 =	sne.s32 s11, $0x9FC0  }
.Ltmp0:
0x11: {  	_ = 	snop;
	(pc) =	sbr.rel @p0 .LBB2_2-.Ltmp0, $3  }
0x12: {  	_ =	sdelay $0x1  }
0x13: {  	s12 =	sshra.s32 s11, $0x2  }
0x14: {  	s11 =	sadd.s32 $0x40, s11;
	[tilespmem:s12+$0x2780] =	vst v0  }
0x15: {  	s12 =	simm.s32 $0x0;
	s11 =	simm.s32 $0x40  }
.LBB2_4:
0x16: {  	p0 =	sne.s32 s11, $0x9C00;
	v2 =	vld [tilespmem:s12+$0x0];
	_ =	sdelay $0x3  }
.Ltmp1:
0x17: {  	(pc) =	sbr.rel @p0 .LBB2_4-.Ltmp1, $2  }
0x18: {  	_ =	sdelay $0x2  }
0x19: {  	s12 =	sshra.s32 s11, $0x2;
	s11 =	sadd.s32 $0x40, s11;
	[tilespmem:v2+s7+$0x0] =	vst.idx.add.f32.msk $0xffff, v1  }
0x1a: {  	v2 =	vld [tilespmem:s12+$0x0];
	_ =	sdelay $0x5  }
0x1b: {  	s10 =	sadd.s32 $0x1, s10  }
0x1c: {  	p0 =	sne.s32 s10, s5  }
.Ltmp2:
0x1d: {  	[tilespmem:v2+s7+$0x0] =	vst.idx.add.f32.msk $0xffff, v1;
	(pc) =	sbr.rel @p0 .LBB2_1-.Ltmp2, $4  }
0x1e: {  	[hbm4b:s4+s8] =	stream.strided.scatter [tilespmem:s7], [sflag:$0x1], $0x2800, s9, s8, $0x38;
	[tilespmem:$0x4F80] =	vst v63  }
0x1f: {  	_ =	swait.ge [sflag:s6], $0x2800  }
0x20: {  	[sflag:s6] =	ssyncset.done $0x0  }
0x21: {  	[sflag:s6] =	ssyncadd.s32 $0xFFFFD800  }
0x22: {  	_ =	sfence.sel $0x180000  }
0x23: {  	[bflag:$0x0] =	sbarrier.arrive $0xFFFF  }
0x24: {  	p0 =	sne.s32 s0, $0x0;
	_ =	strace $0x90000047  }
0x25: {  	s0 =	sadd.s32 @!p0 $0x100000, s1;
	[bflag:$0x2] =	sbarrier.arrive $0xFFFF  }
0x26: {  	[sflag:s0] =	ssyncadd.tile.s32 @!p0 $0x1;
	_ =	shalt  }
.Lfunc_end2:
_tile_overlayer_lowered:
.L_overlay_start_2:
0x27: {  	(tag) =	ssettag $0x2  }
0x28: {  	s0 =	rddreg [dreg:$0x0];
	s2 =	stileid.u32  }
0x29: {  	s1 =	rddreg [dreg:$0x1];
	p0 =	sne.s32 s2, $0x0  }
0x2a: {  	s3 =	rddreg [dreg:$0x2];
	[bflag:$0x3] =	sbarrier.arrive $0xFFFF;
	s2 =	simm.s32 @!p0 $0x1C01  }
0x2b: {  	[timem:s3], [sflag:s2] =	dma.local @!p0 [hbm:s0], s1  }
0x2c: {  	s0 =	simm.s32 @!p0 $0x1  }
0x2d: {  	_ =	swait.ge @!p0 [sflag:s0], s1  }
0x2e: {  	s1 =	ssub.s32 @!p0 $0x0, s1;
	[sflag:s0] =	ssyncset.done @!p0 $0x0  }
0x2f: {  	[sflag:s0] =	ssyncadd.s32 @!p0 s1  }
0x30: {  	[bflag:$0x3] =	sbarrier.arrive $0xFFFF  }
0x31: {  	_ =	shalt  }

</sc_bundles>
